<compile_context>
chip_gen: v7x
topology: tpu7x:2x2x1
jax: 0.10.2.dev20260603
libtpu: 0.0.44.dev20260713+nightly
codegen_flags: <defaults>
</compile_context>

<pallas_src>
import functools

import jax
import jax.numpy as jnp
from jax import lax
from jax.experimental import pallas as pl
from jax.experimental.pallas import tpu as pltpu
from jax.experimental.pallas import tpu_sc as plsc

D = 64
L = 16
BSL = 512
HALF = 256
NC, NS = 2, 16
NW = NC * NS


def _body(idx_hbm, wt_hbm, out_hbm, idx_v, wt_v, buf_v, isem, osem,
          *, batch, hist):
    wid = lax.axis_index("s") * NC + lax.axis_index("c")
    b0 = wid * BSL

    pltpu.sync_copy(wt_hbm, wt_v)

    iota = lax.iota(jnp.int32, L)
    zero = iota * 0

    def idx_cp(h, ib):
        return pltpu.make_async_copy(
            idx_hbm.at[pl.ds(h * batch + b0, BSL)],
            idx_v.at[pl.ds(ib * BSL, BSL)],
            isem,
        )

    def write_cp(c, h, t):
        return pltpu.make_async_copy(
            buf_v.at[c % 2],
            out_hbm.at[h, :, pl.ds(b0 + t * HALF, HALF)],
            osem,
        )

    def compute_half(c, ioff):
        cb = c % 2
        ivecs = [idx_v[pl.ds(ioff + g * L, L)] for g in range(HALF // L)]

        @plsc.parallel_loop(0, D, unroll=2)
        def _(d):
            dvec = zero + d
            for g in range(HALF // L):
                vals = plsc.load_gather(wt_v, [dvec, ivecs[g]])
                buf_v[cb, d, pl.ds(g * L, L)] = vals

    def hloop(h, _):
        ib = h % 2
        idx_cp(h, ib).wait()

        @pl.when(h + 1 < hist)
        def _():
            idx_cp(h + 1, (h + 1) % 2).start()

        for t in range(2):
            c = h * 2 + t

            @pl.when(c >= 2)
            def _():
                write_cp(c, 0, 0).wait()

            compute_half(c, ib * BSL + t * HALF)
            write_cp(c, h, t).start()
        return 0

    idx_cp(0, 0).start()
    lax.fori_loop(0, hist, hloop, 0)
    write_cp(0, 0, 0).wait()
    write_cp(1, 0, 0).wait()


@functools.partial(jax.jit, static_argnames=("batch", "hist"))
def _gather(idx, wt, *, batch, hist):
    body = functools.partial(_body, batch=batch, hist=hist)
    return pl.kernel(
        body,
        out_type=jax.ShapeDtypeStruct((hist, D, batch), jnp.float32),
        mesh=plsc.VectorSubcoreMesh(core_axis_name="c", subcore_axis_name="s"),
        scratch_types=[
            pltpu.VMEM((2 * BSL,), jnp.int32),
            pltpu.VMEM((D, 1000 + 1), jnp.float32),
            pltpu.VMEM((2, D, HALF), jnp.float32),
            pltpu.SemaphoreType.DMA,
            pltpu.SemaphoreType.DMA,
        ],
        compiler_params=pltpu.CompilerParams(
            use_tc_tiling_on_sc=True, needs_layout_passes=False
        ),
    )(idx, wt)


def kernel(x, W):
    b, h = x.shape
    idx = x.T.reshape(h * b).astype(jnp.int32)
    wt = W.T
    out = _gather(idx, wt, batch=b, hist=h)
    return jnp.transpose(out, (2, 0, 1))

# --- scband reference (transcript-rebuilt; emitter-appended) ---
"""Pipeline reference for scband-period-embedding-32633161515595 (READ-ONLY COPY).

The authoritative reference and input builder live on the scoring server;
editing this copy changes nothing except your own understanding.
"""

import jax, jax.numpy as jnp
import numpy as np

C_IN = 1000
D_MODEL = 64
BATCH = 16384
HIST = 200


def _build_weight():
    half = D_MODEL // 2
    sin_part = np.fromfunction(lambda i, j: np.sin(np.pi / C_IN * 2.0 ** j * (i - 1)), (C_IN + 1, half))
    cos_part = np.fromfunction(lambda i, j: np.cos(np.pi / C_IN * 2.0 ** j * (i - 1)), (C_IN + 1, half))
    return jnp.asarray(np.hstack([sin_part, cos_part]), dtype=jnp.float32)


def setup_inputs(seed: int = 0) -> dict:
    key = jax.random.key(seed)
    x = jax.random.randint(key, (BATCH, HIST), 0, C_IN).astype(jnp.int64)
    W = _build_weight()  # shape (C_IN + 1, D_MODEL): torch module replaces emb.weight with this table
    return {"x": x, "W": W}


def reference(x, W):
    # torch: self.emb(x).detach() -> frozen embedding lookup
    return jax.lax.stop_gradient(jnp.take(W, x, axis=0))

if __name__ == "__main__":
    import jax
    _d = setup_inputs()
    print(jax.jit(kernel)(*tuple(_d.values())))

</pallas_src>

<mosaic_0001>
#map = affine_map<(d0, d1) -> (0)>
#map1 = affine_map<(d0, d1) -> (0, 0)>
#map2 = affine_map<(d0, d1) -> (0, 0, 0)>
module attributes {stable_mosaic.version = 14 : i64} {
  func.func @_body(%arg0: i32, %arg1: i32, %arg2: memref<3276800xi32, #tpu.memory_space<hbm>>, %arg3: memref<64x1001xf32, #tpu.memory_space<hbm>>, %arg4: memref<200x64x16384xf32, #tpu.memory_space<hbm>>, %arg5: memref<1024xi32, #tpu.memory_space<vmem>>, %arg6: memref<64x1001xf32, #tpu.memory_space<vmem>>, %arg7: memref<2x64x256xf32, #tpu.memory_space<vmem>>, %arg8: memref<!tpu.dma_semaphore, #tpu.memory_space<semaphore_mem>>, %arg9: memref<!tpu.dma_semaphore, #tpu.memory_space<semaphore_mem>>) attributes {dimension_semantics = [#tpu.dimension_semantics<core_parallel>, #tpu.dimension_semantics<subcore_parallel>], iteration_bounds = array<i64: 2, 16>, scalar_prefetch = 0 : i64, scratch_operands = 5 : i64, tpu.core_type = #tpu.core_type<sc_vector_subcore>, window_params = [{transform_indices = #map}, {transform_indices = #map1}, {transform_indices = #map2}]} {
    %mul3A = arith.constant 2 : i32
    %mul3A_0 = arith.muli %arg1, %mul3A : i32
    %add3A = arith.addi %mul3A_0, %arg0 : i32
    %mul3A_1 = arith.constant 512 : i32
    %mul3A_2 = arith.muli %add3A, %mul3A_1 : i32
    "tpu.region"() ({
      %run_scoped3A = tpu.sem_alloc : memref<!tpu.dma_semaphore, #tpu.memory_space<semaphore_mem>>
      tpu.enqueue_dma source(%arg3 : memref<64x1001xf32, #tpu.memory_space<hbm>>) target(%arg6 : memref<64x1001xf32, #tpu.memory_space<vmem>>) target_semaphore(%run_scoped3A : memref<!tpu.dma_semaphore, #tpu.memory_space<semaphore_mem>>)
      tpu.wait_dma2 semaphore(%run_scoped3A : memref<!tpu.dma_semaphore, #tpu.memory_space<semaphore_mem>>) src(%arg3 : memref<64x1001xf32, #tpu.memory_space<hbm>>) dst(%arg6 : memref<64x1001xf32, #tpu.memory_space<vmem>>)
      tpu.yield
    }) : () -> ()
    %iota3A = tpu.iota {dimensions = array<i32: 0>} : vector<16xi32>
    %mul3A_3 = arith.constant 0 : i32
    %mul3A_4 = vector.broadcast %mul3A_3 : i32 to vector<16xi32>
    %mul3A_5 = arith.muli %iota3A, %mul3A_4 : vector<16xi32>
    %add3A_6 = arith.constant 0 : i32
    %add3A_7 = arith.addi %add3A_6, %mul3A_2 : i32
    %dma_start3A = arith.constant 0 : i32
    %dma_start3A_8 = tpu.memref_slice %arg5[%dma_start3A] : memref<1024xi32, #tpu.memory_space<vmem>> -> memref<512xi32, #tpu.memory_space<vmem>>
    %dma_start3A_9 = tpu.memref_slice %arg2[%add3A_7] : memref<3276800xi32, #tpu.memory_space<hbm>> -> memref<512xi32, #tpu.memory_space<hbm>>
    %dma_start3A_10 = arith.constant 0 : i32
    %dma_start3A_11 = tpu.memref_slice %arg5[%dma_start3A_10] : memref<1024xi32, #tpu.memory_space<vmem>> -> memref<512xi32, #tpu.memory_space<vmem>>
    %dma_start3A_12 = tpu.memref_slice %arg2[%add3A_7] : memref<3276800xi32, #tpu.memory_space<hbm>> -> memref<512xi32, #tpu.memory_space<hbm>>
    tpu.enqueue_dma source(%dma_start3A_12 : memref<512xi32, #tpu.memory_space<hbm>>) target(%dma_start3A_11 : memref<512xi32, #tpu.memory_space<vmem>>) target_semaphore(%arg8 : memref<!tpu.dma_semaphore, #tpu.memory_space<semaphore_mem>>)
    %scan3A = arith.constant 0 : i32
    %scan3A_13 = arith.constant 0 : i32
    %scan3A_14 = arith.constant 200 : i32
    %scan3A_15 = arith.addi %scan3A_13, %scan3A_14 : i32
    %scan3A_16 = arith.constant 1 : i32
    %scan3A_17 = scf.for %scan3A_54 = %scan3A_13 to %scan3A_15 step %scan3A_16 iter_args(%scan3A_55 = %scan3A) -> (i32)  : i32 {
      %jit3A = arith.constant 2 : i32
      %eq3A = arith.constant 0 : i32
      %eq3A_56 = arith.cmpi eq, %jit3A, %eq3A : i32
      %jit3A_57 = arith.constant 1 : i32
      %select_n3A = arith.select %eq3A_56, %jit3A_57, %jit3A : i32
      %rem3A = arith.remsi %scan3A_54, %select_n3A : i32
      %ne3A = arith.constant 0 : i32
      %ne3A_58 = arith.cmpi ne, %rem3A, %ne3A : i32
      %lt3A = arith.constant 0 : i32
      %lt3A_59 = arith.cmpi slt, %rem3A, %lt3A : i32
      %lt3A_60 = arith.constant 0 : i32
      %lt3A_61 = arith.cmpi slt, %select_n3A, %lt3A_60 : i32
      %ne3A_62 = arith.xori %lt3A_59, %lt3A_61 : i1
      %and3A = arith.andi %ne3A_62, %ne3A_58 : i1
      %add3A_63 = arith.addi %rem3A, %select_n3A : i32
      %select_n3A_64 = arith.select %and3A, %add3A_63, %rem3A : i32
      %mul3A_65 = arith.constant 16384 : i32
      %mul3A_66 = arith.muli %scan3A_54, %mul3A_65 : i32
      %add3A_67 = arith.addi %mul3A_66, %mul3A_2 : i32
      %mul3A_68 = arith.constant 512 : i32
      %mul3A_69 = arith.muli %select_n3A_64, %mul3A_68 : i32
      %dma_wait3A_70 = tpu.memref_slice %arg5[%mul3A_69] : memref<1024xi32, #tpu.memory_space<vmem>> -> memref<512xi32, #tpu.memory_space<vmem>>
      %dma_wait3A_71 = tpu.memref_slice %arg2[%add3A_67] : memref<3276800xi32, #tpu.memory_space<hbm>> -> memref<512xi32, #tpu.memory_space<hbm>>
      %dma_wait3A_72 = tpu.memref_slice %arg5[%mul3A_69] : memref<1024xi32, #tpu.memory_space<vmem>> -> memref<512xi32, #tpu.memory_space<vmem>>
      %dma_wait3A_73 = tpu.memref_slice %arg2[%add3A_67] : memref<3276800xi32, #tpu.memory_space<hbm>> -> memref<512xi32, #tpu.memory_space<hbm>>
      tpu.wait_dma2 semaphore(%arg8 : memref<!tpu.dma_semaphore, #tpu.memory_space<semaphore_mem>>) src(%dma_wait3A_73 : memref<512xi32, #tpu.memory_space<hbm>>) dst(%dma_wait3A_72 : memref<512xi32, #tpu.memory_space<vmem>>)
      %add3A_74 = arith.constant 1 : i32
      %add3A_75 = arith.addi %scan3A_54, %add3A_74 : i32
      %lt3A_76 = arith.constant 200 : i32
      %lt3A_77 = arith.cmpi slt, %add3A_75, %lt3A_76 : i32
      %convert_element_type3A = arith.extui %lt3A_77 : i1 to i32
      %cond3A = arith.constant 0 : i32
      %cond3A_78 = arith.cmpi ne, %convert_element_type3A, %cond3A : i32
      scf.if %cond3A_78 {
        %add3A_333 = arith.constant 1 : i32
        %add3A_334 = arith.addi %scan3A_54, %add3A_333 : i32
        %add3A_335 = arith.constant 1 : i32
        %add3A_336 = arith.addi %scan3A_54, %add3A_335 : i32
        %jit3A_337 = arith.constant 2 : i32
        %eq3A_338 = arith.constant 0 : i32
        %eq3A_339 = arith.cmpi eq, %jit3A_337, %eq3A_338 : i32
        %jit3A_340 = arith.constant 1 : i32
        %select_n3A_341 = arith.select %eq3A_339, %jit3A_340, %jit3A_337 : i32
        %rem3A_342 = arith.remsi %add3A_336, %select_n3A_341 : i32
        %ne3A_343 = arith.constant 0 : i32
        %ne3A_344 = arith.cmpi ne, %rem3A_342, %ne3A_343 : i32
        %lt3A_345 = arith.constant 0 : i32
        %lt3A_346 = arith.cmpi slt, %rem3A_342, %lt3A_345 : i32
        %lt3A_347 = arith.constant 0 : i32
        %lt3A_348 = arith.cmpi slt, %select_n3A_341, %lt3A_347 : i32
        %ne3A_349 = arith.xori %lt3A_346, %lt3A_348 : i1
        %and3A_350 = arith.andi %ne3A_349, %ne3A_344 : i1
        %add3A_351 = arith.addi %rem3A_342, %select_n3A_341 : i32
        %select_n3A_352 = arith.select %and3A_350, %add3A_351, %rem3A_342 : i32
        %mul3A_353 = arith.constant 16384 : i32
        %mul3A_354 = arith.muli %add3A_334, %mul3A_353 : i32
        %add3A_355 = arith.addi %mul3A_354, %mul3A_2 : i32
        %mul3A_356 = arith.constant 512 : i32
        %mul3A_357 = arith.muli %select_n3A_352, %mul3A_356 : i32
        %dma_start3A_358 = tpu.memref_slice %arg5[%mul3A_357] : memref<1024xi32, #tpu.memory_space<vmem>> -> memref<512xi32, #tpu.memory_space<vmem>>
        %dma_start3A_359 = tpu.memref_slice %arg2[%add3A_355] : memref<3276800xi32, #tpu.memory_space<hbm>> -> memref<512xi32, #tpu.memory_space<hbm>>
        %dma_start3A_360 = tpu.memref_slice %arg5[%mul3A_357] : memref<1024xi32, #tpu.memory_space<vmem>> -> memref<512xi32, #tpu.memory_space<vmem>>
        %dma_start3A_361 = tpu.memref_slice %arg2[%add3A_355] : memref<3276800xi32, #tpu.memory_space<hbm>> -> memref<512xi32, #tpu.memory_space<hbm>>
        tpu.enqueue_dma source(%dma_start3A_361 : memref<512xi32, #tpu.memory_space<hbm>>) target(%dma_start3A_360 : memref<512xi32, #tpu.memory_space<vmem>>) target_semaphore(%arg8 : memref<!tpu.dma_semaphore, #tpu.memory_space<semaphore_mem>>)
      } else {
      }
      %mul3A_79 = arith.constant 2 : i32
      %mul3A_80 = arith.muli %scan3A_54, %mul3A_79 : i32
      %add3A_81 = arith.constant 0 : i32
      %add3A_82 = arith.addi %mul3A_80, %add3A_81 : i32
      %ge3A = arith.constant 2 : i32
      %ge3A_83 = arith.cmpi sge, %add3A_82, %ge3A : i32
      %convert_element_type3A_84 = arith.extui %ge3A_83 : i1 to i32
      %cond3A_85 = arith.constant 0 : i32
      %cond3A_86 = arith.cmpi ne, %convert_element_type3A_84, %cond3A_85 : i32
      scf.if %cond3A_86 {
        %jit3A_333 = arith.constant 2 : i32
        %eq3A_334 = arith.constant 0 : i32
        %eq3A_335 = arith.cmpi eq, %jit3A_333, %eq3A_334 : i32
        %jit3A_336 = arith.constant 1 : i32
        %select_n3A_337 = arith.select %eq3A_335, %jit3A_336, %jit3A_333 : i32
        %rem3A_338 = arith.remsi %add3A_82, %select_n3A_337 : i32
        %ne3A_339 = arith.constant 0 : i32
        %ne3A_340 = arith.cmpi ne, %rem3A_338, %ne3A_339 : i32
        %lt3A_341 = arith.constant 0 : i32
        %lt3A_342 = arith.cmpi slt, %rem3A_338, %lt3A_341 : i32
        %lt3A_343 = arith.constant 0 : i32
        %lt3A_344 = arith.cmpi slt, %select_n3A_337, %lt3A_343 : i32
        %ne3A_345 = arith.xori %lt3A_342, %lt3A_344 : i1
        %and3A_346 = arith.andi %ne3A_345, %ne3A_340 : i1
        %add3A_347 = arith.addi %rem3A_338, %select_n3A_337 : i32
        %select_n3A_348 = arith.select %and3A_346, %add3A_347, %rem3A_338 : i32
        %add3A_349 = arith.constant 0 : i32
        %add3A_350 = arith.addi %mul3A_2, %add3A_349 : i32
        %dma_wait3A_351 = arith.constant 0 : i32
        %dma_wait3A_352 = arith.constant 0 : i32
        %dma_wait3A_353 = arith.constant 0 : i32
        %dma_wait3A_354 = tpu.memref_slice %arg7[%select_n3A_348, %dma_wait3A_352, %dma_wait3A_353] : memref<2x64x256xf32, #tpu.memory_space<vmem>> -> memref<1x64x256xf32, #tpu.memory_space<vmem>>
        %dma_wait3A_355 = tpu.memref_squeeze %dma_wait3A_354 : memref<1x64x256xf32, #tpu.memory_space<vmem>> -> memref<64x256xf32, #tpu.memory_space<vmem>>
        %dma_wait3A_356 = arith.constant 0 : i32
        %dma_wait3A_357 = tpu.memref_slice %arg4[%dma_wait3A_351, %dma_wait3A_356, %add3A_350] : memref<200x64x16384xf32, #tpu.memory_space<hbm>> -> memref<1x64x256xf32, #tpu.memory_space<hbm>>
        %dma_wait3A_358 = tpu.memref_squeeze %dma_wait3A_357 : memref<1x64x256xf32, #tpu.memory_space<hbm>> -> memref<64x256xf32, #tpu.memory_space<hbm>>
        %dma_wait3A_359 = arith.constant 0 : i32
        %dma_wait3A_360 = tpu.memref_slice %arg4[%dma_wait3A_351, %dma_wait3A_359, %add3A_350] : memref<200x64x16384xf32, #tpu.memory_space<hbm>> -> memref<1x64x256xf32, #tpu.memory_space<hbm>>
        %dma_wait3A_361 = tpu.memref_squeeze %dma_wait3A_360 : memref<1x64x256xf32, #tpu.memory_space<hbm>> -> memref<64x256xf32, #tpu.memory_space<hbm>>
        %dma_wait3A_362 = arith.constant 0 : i32
        %dma_wait3A_363 = arith.constant 0 : i32
        %dma_wait3A_364 = tpu.memref_slice %arg7[%select_n3A_348, %dma_wait3A_362, %dma_wait3A_363] : memref<2x64x256xf32, #tpu.memory_space<vmem>> -> memref<1x64x256xf32, #tpu.memory_space<vmem>>
        %dma_wait3A_365 = tpu.memref_squeeze %dma_wait3A_364 : memref<1x64x256xf32, #tpu.memory_space<vmem>> -> memref<64x256xf32, #tpu.memory_space<vmem>>
        tpu.wait_dma2 semaphore(%arg9 : memref<!tpu.dma_semaphore, #tpu.memory_space<semaphore_mem>>) src(%dma_wait3A_365 : memref<64x256xf32, #tpu.memory_space<vmem>>) dst(%dma_wait3A_361 : memref<64x256xf32, #tpu.memory_space<hbm>>)
      } else {
      }
      %mul3A_87 = arith.constant 512 : i32
      %mul3A_88 = arith.muli %select_n3A_64, %mul3A_87 : i32
      %add3A_89 = arith.constant 0 : i32
      %add3A_90 = arith.addi %mul3A_88, %add3A_89 : i32
      %jit3A_91 = arith.constant 2 : i32
      %eq3A_92 = arith.constant 0 : i32
      %eq3A_93 = arith.cmpi eq, %jit3A_91, %eq3A_92 : i32
      %jit3A_94 = arith.constant 1 : i32
      %select_n3A_95 = arith.select %eq3A_93, %jit3A_94, %jit3A_91 : i32
      %rem3A_96 = arith.remsi %add3A_82, %select_n3A_95 : i32
      %ne3A_97 = arith.constant 0 : i32
      %ne3A_98 = arith.cmpi ne, %rem3A_96, %ne3A_97 : i32
      %lt3A_99 = arith.constant 0 : i32
      %lt3A_100 = arith.cmpi slt, %rem3A_96, %lt3A_99 : i32
      %lt3A_101 = arith.constant 0 : i32
      %lt3A_102 = arith.cmpi slt, %select_n3A_95, %lt3A_101 : i32
      %ne3A_103 = arith.xori %lt3A_100, %lt3A_102 : i1
      %and3A_104 = arith.andi %ne3A_103, %ne3A_98 : i1
      %add3A_105 = arith.addi %rem3A_96, %select_n3A_95 : i32
      %select_n3A_106 = arith.select %and3A_104, %add3A_105, %rem3A_96 : i32
      %add3A_107 = arith.constant 0 : i32
      %add3A_108 = arith.addi %add3A_90, %add3A_107 : i32
      %get3A = arith.index_cast %add3A_108 : i32 to index
      %get3A_109 = tpu.vector_load %arg5[%get3A] {strides = array<i32>} : memref<1024xi32, #tpu.memory_space<vmem>>, vector<16xi32>,
      %add3A_110 = arith.constant 16 : i32
      %add3A_111 = arith.addi %add3A_90, %add3A_110 : i32
      %get3A_112 = arith.index_cast %add3A_111 : i32 to index
      %get3A_113 = tpu.vector_load %arg5[%get3A_112] {strides = array<i32>} : memref<1024xi32, #tpu.memory_space<vmem>>, vector<16xi32>,
      %add3A_114 = arith.constant 32 : i32
      %add3A_115 = arith.addi %add3A_90, %add3A_114 : i32
      %get3A_116 = arith.index_cast %add3A_115 : i32 to index
      %get3A_117 = tpu.vector_load %arg5[%get3A_116] {strides = array<i32>} : memref<1024xi32, #tpu.memory_space<vmem>>, vector<16xi32>,
      %add3A_118 = arith.constant 48 : i32
      %add3A_119 = arith.addi %add3A_90, %add3A_118 : i32
      %get3A_120 = arith.index_cast %add3A_119 : i32 to index
      %get3A_121 = tpu.vector_load %arg5[%get3A_120] {strides = array<i32>} : memref<1024xi32, #tpu.memory_space<vmem>>, vector<16xi32>,
      %add3A_122 = arith.constant 64 : i32
      %add3A_123 = arith.addi %add3A_90, %add3A_122 : i32
      %get3A_124 = arith.index_cast %add3A_123 : i32 to index
      %get3A_125 = tpu.vector_load %arg5[%get3A_124] {strides = array<i32>} : memref<1024xi32, #tpu.memory_space<vmem>>, vector<16xi32>,
      %add3A_126 = arith.constant 80 : i32
      %add3A_127 = arith.addi %add3A_90, %add3A_126 : i32
      %get3A_128 = arith.index_cast %add3A_127 : i32 to index
      %get3A_129 = tpu.vector_load %arg5[%get3A_128] {strides = array<i32>} : memref<1024xi32, #tpu.memory_space<vmem>>, vector<16xi32>,
      %add3A_130 = arith.constant 96 : i32
      %add3A_131 = arith.addi %add3A_90, %add3A_130 : i32
      %get3A_132 = arith.index_cast %add3A_131 : i32 to index
      %get3A_133 = tpu.vector_load %arg5[%get3A_132] {strides = array<i32>} : memref<1024xi32, #tpu.memory_space<vmem>>, vector<16xi32>,
      %add3A_134 = arith.constant 112 : i32
      %add3A_135 = arith.addi %add3A_90, %add3A_134 : i32
      %get3A_136 = arith.index_cast %add3A_135 : i32 to index
      %get3A_137 = tpu.vector_load %arg5[%get3A_136] {strides = array<i32>} : memref<1024xi32, #tpu.memory_space<vmem>>, vector<16xi32>,
      %add3A_138 = arith.constant 128 : i32
      %add3A_139 = arith.addi %add3A_90, %add3A_138 : i32
      %get3A_140 = arith.index_cast %add3A_139 : i32 to index
      %get3A_141 = tpu.vector_load %arg5[%get3A_140] {strides = array<i32>} : memref<1024xi32, #tpu.memory_space<vmem>>, vector<16xi32>,
      %add3A_142 = arith.constant 144 : i32
      %add3A_143 = arith.addi %add3A_90, %add3A_142 : i32
      %get3A_144 = arith.index_cast %add3A_143 : i32 to index
      %get3A_145 = tpu.vector_load %arg5[%get3A_144] {strides = array<i32>} : memref<1024xi32, #tpu.memory_space<vmem>>, vector<16xi32>,
      %add3A_146 = arith.constant 160 : i32
      %add3A_147 = arith.addi %add3A_90, %add3A_146 : i32
      %get3A_148 = arith.index_cast %add3A_147 : i32 to index
      %get3A_149 = tpu.vector_load %arg5[%get3A_148] {strides = array<i32>} : memref<1024xi32, #tpu.memory_space<vmem>>, vector<16xi32>,
      %add3A_150 = arith.constant 176 : i32
      %add3A_151 = arith.addi %add3A_90, %add3A_150 : i32
      %get3A_152 = arith.index_cast %add3A_151 : i32 to index
      %get3A_153 = tpu.vector_load %arg5[%get3A_152] {strides = array<i32>} : memref<1024xi32, #tpu.memory_space<vmem>>, vector<16xi32>,
      %add3A_154 = arith.constant 192 : i32
      %add3A_155 = arith.addi %add3A_90, %add3A_154 : i32
      %get3A_156 = arith.index_cast %add3A_155 : i32 to index
      %get3A_157 = tpu.vector_load %arg5[%get3A_156] {strides = array<i32>} : memref<1024xi32, #tpu.memory_space<vmem>>, vector<16xi32>,
      %add3A_158 = arith.constant 208 : i32
      %add3A_159 = arith.addi %add3A_90, %add3A_158 : i32
      %get3A_160 = arith.index_cast %add3A_159 : i32 to index
      %get3A_161 = tpu.vector_load %arg5[%get3A_160] {strides = array<i32>} : memref<1024xi32, #tpu.memory_space<vmem>>, vector<16xi32>,
      %add3A_162 = arith.constant 224 : i32
      %add3A_163 = arith.addi %add3A_90, %add3A_162 : i32
      %get3A_164 = arith.index_cast %add3A_163 : i32 to index
      %get3A_165 = tpu.vector_load %arg5[%get3A_164] {strides = array<i32>} : memref<1024xi32, #tpu.memory_space<vmem>>, vector<16xi32>,
      %add3A_166 = arith.constant 240 : i32
      %add3A_167 = arith.addi %add3A_90, %add3A_166 : i32
      %get3A_168 = arith.index_cast %add3A_167 : i32 to index
      %get3A_169 = tpu.vector_load %arg5[%get3A_168] {strides = array<i32>} : memref<1024xi32, #tpu.memory_space<vmem>>, vector<16xi32>,
      %parallel_loop3A = arith.constant 0 : i32
      %parallel_loop3A_170 = arith.constant 64 : i32
      %parallel_loop3A_171 = arith.constant 1 : i32
      scf.for %parallel_loop3A_333 = %parallel_loop3A to %parallel_loop3A_170 step %parallel_loop3A_171  : i32 {
        %parallel_loop3A_334 = vector.broadcast %parallel_loop3A_333 : i32 to vector<16xi32>
        %parallel_loop3A_335 = arith.addi %mul3A_5, %parallel_loop3A_334 : vector<16xi32>
        %parallel_loop3A_336 = tpu.vector_load_idx %arg6[%parallel_loop3A_335, %get3A_109] : memref<64x1001xf32, #tpu.memory_space<vmem>>[vector<16xi32>, vector<16xi32>], vector<16xf32>,
        %parallel_loop3A_337 = arith.index_cast %select_n3A_106 : i32 to index
        %parallel_loop3A_338 = arith.index_cast %parallel_loop3A_333 : i32 to index
        %parallel_loop3A_339 = arith.constant 0 : index
        %parallel_loop3A_340 = tpu.vector_load %arg7[%parallel_loop3A_337, %parallel_loop3A_338, %parallel_loop3A_339] {strides = array<i32>} : memref<2x64x256xf32, #tpu.memory_space<vmem>>, vector<16xf32>,
        tpu.vector_store %arg7[%parallel_loop3A_337, %parallel_loop3A_338, %parallel_loop3A_339], %parallel_loop3A_336 {strides = array<i32>} : memref<2x64x256xf32, #tpu.memory_space<vmem>>, vector<16xf32>,
        %parallel_loop3A_341 = tpu.vector_load_idx %arg6[%parallel_loop3A_335, %get3A_113] : memref<64x1001xf32, #tpu.memory_space<vmem>>[vector<16xi32>, vector<16xi32>], vector<16xf32>,
        %parallel_loop3A_342 = arith.index_cast %select_n3A_106 : i32 to index
        %parallel_loop3A_343 = arith.index_cast %parallel_loop3A_333 : i32 to index
        %parallel_loop3A_344 = arith.constant 16 : index
        %parallel_loop3A_345 = tpu.vector_load %arg7[%parallel_loop3A_342, %parallel_loop3A_343, %parallel_loop3A_344] {strides = array<i32>} : memref<2x64x256xf32, #tpu.memory_space<vmem>>, vector<16xf32>,
        tpu.vector_store %arg7[%parallel_loop3A_342, %parallel_loop3A_343, %parallel_loop3A_344], %parallel_loop3A_341 {strides = array<i32>} : memref<2x64x256xf32, #tpu.memory_space<vmem>>, vector<16xf32>,
        %parallel_loop3A_346 = tpu.vector_load_idx %arg6[%parallel_loop3A_335, %get3A_117] : memref<64x1001xf32, #tpu.memory_space<vmem>>[vector<16xi32>, vector<16xi32>], vector<16xf32>,
        %parallel_loop3A_347 = arith.index_cast %select_n3A_106 : i32 to index
        %parallel_loop3A_348 = arith.index_cast %parallel_loop3A_333 : i32 to index
        %parallel_loop3A_349 = arith.constant 32 : index
        %parallel_loop3A_350 = tpu.vector_load %arg7[%parallel_loop3A_347, %parallel_loop3A_348, %parallel_loop3A_349] {strides = array<i32>} : memref<2x64x256xf32, #tpu.memory_space<vmem>>, vector<16xf32>,
        tpu.vector_store %arg7[%parallel_loop3A_347, %parallel_loop3A_348, %parallel_loop3A_349], %parallel_loop3A_346 {strides = array<i32>} : memref<2x64x256xf32, #tpu.memory_space<vmem>>, vector<16xf32>,
        %parallel_loop3A_351 = tpu.vector_load_idx %arg6[%parallel_loop3A_335, %get3A_121] : memref<64x1001xf32, #tpu.memory_space<vmem>>[vector<16xi32>, vector<16xi32>], vector<16xf32>,
        %parallel_loop3A_352 = arith.index_cast %select_n3A_106 : i32 to index
        %parallel_loop3A_353 = arith.index_cast %parallel_loop3A_333 : i32 to index
        %parallel_loop3A_354 = arith.constant 48 : index
        %parallel_loop3A_355 = tpu.vector_load %arg7[%parallel_loop3A_352, %parallel_loop3A_353, %parallel_loop3A_354] {strides = array<i32>} : memref<2x64x256xf32, #tpu.memory_space<vmem>>, vector<16xf32>,
        tpu.vector_store %arg7[%parallel_loop3A_352, %parallel_loop3A_353, %parallel_loop3A_354], %parallel_loop3A_351 {strides = array<i32>} : memref<2x64x256xf32, #tpu.memory_space<vmem>>, vector<16xf32>,
        %parallel_loop3A_356 = tpu.vector_load_idx %arg6[%parallel_loop3A_335, %get3A_125] : memref<64x1001xf32, #tpu.memory_space<vmem>>[vector<16xi32>, vector<16xi32>], vector<16xf32>,
        %parallel_loop3A_357 = arith.index_cast %select_n3A_106 : i32 to index
        %parallel_loop3A_358 = arith.index_cast %parallel_loop3A_333 : i32 to index
        %parallel_loop3A_359 = arith.constant 64 : index
        %parallel_loop3A_360 = tpu.vector_load %arg7[%parallel_loop3A_357, %parallel_loop3A_358, %parallel_loop3A_359] {strides = array<i32>} : memref<2x64x256xf32, #tpu.memory_space<vmem>>, vector<16xf32>,
        tpu.vector_store %arg7[%parallel_loop3A_357, %parallel_loop3A_358, %parallel_loop3A_359], %parallel_loop3A_356 {strides = array<i32>} : memref<2x64x256xf32, #tpu.memory_space<vmem>>, vector<16xf32>,
        %parallel_loop3A_361 = tpu.vector_load_idx %arg6[%parallel_loop3A_335, %get3A_129] : memref<64x1001xf32, #tpu.memory_space<vmem>>[vector<16xi32>, vector<16xi32>], vector<16xf32>,
        %parallel_loop3A_362 = arith.index_cast %select_n3A_106 : i32 to index
        %parallel_loop3A_363 = arith.index_cast %parallel_loop3A_333 : i32 to index
        %parallel_loop3A_364 = arith.constant 80 : index
        %parallel_loop3A_365 = tpu.vector_load %arg7[%parallel_loop3A_362, %parallel_loop3A_363, %parallel_loop3A_364] {strides = array<i32>} : memref<2x64x256xf32, #tpu.memory_space<vmem>>, vector<16xf32>,
        tpu.vector_store %arg7[%parallel_loop3A_362, %parallel_loop3A_363, %parallel_loop3A_364], %parallel_loop3A_361 {strides = array<i32>} : memref<2x64x256xf32, #tpu.memory_space<vmem>>, vector<16xf32>,
        %parallel_loop3A_366 = tpu.vector_load_idx %arg6[%parallel_loop3A_335, %get3A_133] : memref<64x1001xf32, #tpu.memory_space<vmem>>[vector<16xi32>, vector<16xi32>], vector<16xf32>,
        %parallel_loop3A_367 = arith.index_cast %select_n3A_106 : i32 to index
        %parallel_loop3A_368 = arith.index_cast %parallel_loop3A_333 : i32 to index
        %parallel_loop3A_369 = arith.constant 96 : index
        %parallel_loop3A_370 = tpu.vector_load %arg7[%parallel_loop3A_367, %parallel_loop3A_368, %parallel_loop3A_369] {strides = array<i32>} : memref<2x64x256xf32, #tpu.memory_space<vmem>>, vector<16xf32>,
        tpu.vector_store %arg7[%parallel_loop3A_367, %parallel_loop3A_368, %parallel_loop3A_369], %parallel_loop3A_366 {strides = array<i32>} : memref<2x64x256xf32, #tpu.memory_space<vmem>>, vector<16xf32>,
        %parallel_loop3A_371 = tpu.vector_load_idx %arg6[%parallel_loop3A_335, %get3A_137] : memref<64x1001xf32, #tpu.memory_space<vmem>>[vector<16xi32>, vector<16xi32>], vector<16xf32>,
        %parallel_loop3A_372 = arith.index_cast %select_n3A_106 : i32 to index
        %parallel_loop3A_373 = arith.index_cast %parallel_loop3A_333 : i32 to index
        %parallel_loop3A_374 = arith.constant 112 : index
        %parallel_loop3A_375 = tpu.vector_load %arg7[%parallel_loop3A_372, %parallel_loop3A_373, %parallel_loop3A_374] {strides = array<i32>} : memref<2x64x256xf32, #tpu.memory_space<vmem>>, vector<16xf32>,
        tpu.vector_store %arg7[%parallel_loop3A_372, %parallel_loop3A_373, %parallel_loop3A_374], %parallel_loop3A_371 {strides = array<i32>} : memref<2x64x256xf32, #tpu.memory_space<vmem>>, vector<16xf32>,
        %parallel_loop3A_376 = tpu.vector_load_idx %arg6[%parallel_loop3A_335, %get3A_141] : memref<64x1001xf32, #tpu.memory_space<vmem>>[vector<16xi32>, vector<16xi32>], vector<16xf32>,
        %parallel_loop3A_377 = arith.index_cast %select_n3A_106 : i32 to index
        %parallel_loop3A_378 = arith.index_cast %parallel_loop3A_333 : i32 to index
        %parallel_loop3A_379 = arith.constant 128 : index
        %parallel_loop3A_380 = tpu.vector_load %arg7[%parallel_loop3A_377, %parallel_loop3A_378, %parallel_loop3A_379] {strides = array<i32>} : memref<2x64x256xf32, #tpu.memory_space<vmem>>, vector<16xf32>,
        tpu.vector_store %arg7[%parallel_loop3A_377, %parallel_loop3A_378, %parallel_loop3A_379], %parallel_loop3A_376 {strides = array<i32>} : memref<2x64x256xf32, #tpu.memory_space<vmem>>, vector<16xf32>,
        %parallel_loop3A_381 = tpu.vector_load_idx %arg6[%parallel_loop3A_335, %get3A_145] : memref<64x1001xf32, #tpu.memory_space<vmem>>[vector<16xi32>, vector<16xi32>], vector<16xf32>,
        %parallel_loop3A_382 = arith.index_cast %select_n3A_106 : i32 to index
        %parallel_loop3A_383 = arith.index_cast %parallel_loop3A_333 : i32 to index
        %parallel_loop3A_384 = arith.constant 144 : index
        %parallel_loop3A_385 = tpu.vector_load %arg7[%parallel_loop3A_382, %parallel_loop3A_383, %parallel_loop3A_384] {strides = array<i32>} : memref<2x64x256xf32, #tpu.memory_space<vmem>>, vector<16xf32>,
        tpu.vector_store %arg7[%parallel_loop3A_382, %parallel_loop3A_383, %parallel_loop3A_384], %parallel_loop3A_381 {strides = array<i32>} : memref<2x64x256xf32, #tpu.memory_space<vmem>>, vector<16xf32>,
        %parallel_loop3A_386 = tpu.vector_load_idx %arg6[%parallel_loop3A_335, %get3A_149] : memref<64x1001xf32, #tpu.memory_space<vmem>>[vector<16xi32>, vector<16xi32>], vector<16xf32>,
        %parallel_loop3A_387 = arith.index_cast %select_n3A_106 : i32 to index
        %parallel_loop3A_388 = arith.index_cast %parallel_loop3A_333 : i32 to index
        %parallel_loop3A_389 = arith.constant 160 : index
        %parallel_loop3A_390 = tpu.vector_load %arg7[%parallel_loop3A_387, %parallel_loop3A_388, %parallel_loop3A_389] {strides = array<i32>} : memref<2x64x256xf32, #tpu.memory_space<vmem>>, vector<16xf32>,
        tpu.vector_store %arg7[%parallel_loop3A_387, %parallel_loop3A_388, %parallel_loop3A_389], %parallel_loop3A_386 {strides = array<i32>} : memref<2x64x256xf32, #tpu.memory_space<vmem>>, vector<16xf32>,
        %parallel_loop3A_391 = tpu.vector_load_idx %arg6[%parallel_loop3A_335, %get3A_153] : memref<64x1001xf32, #tpu.memory_space<vmem>>[vector<16xi32>, vector<16xi32>], vector<16xf32>,
        %parallel_loop3A_392 = arith.index_cast %select_n3A_106 : i32 to index
        %parallel_loop3A_393 = arith.index_cast %parallel_loop3A_333 : i32 to index
        %parallel_loop3A_394 = arith.constant 176 : index
        %parallel_loop3A_395 = tpu.vector_load %arg7[%parallel_loop3A_392, %parallel_loop3A_393, %parallel_loop3A_394] {strides = array<i32>} : memref<2x64x256xf32, #tpu.memory_space<vmem>>, vector<16xf32>,
        tpu.vector_store %arg7[%parallel_loop3A_392, %parallel_loop3A_393, %parallel_loop3A_394], %parallel_loop3A_391 {strides = array<i32>} : memref<2x64x256xf32, #tpu.memory_space<vmem>>, vector<16xf32>,
        %parallel_loop3A_396 = tpu.vector_load_idx %arg6[%parallel_loop3A_335, %get3A_157] : memref<64x1001xf32, #tpu.memory_space<vmem>>[vector<16xi32>, vector<16xi32>], vector<16xf32>,
        %parallel_loop3A_397 = arith.index_cast %select_n3A_106 : i32 to index
        %parallel_loop3A_398 = arith.index_cast %parallel_loop3A_333 : i32 to index
        %parallel_loop3A_399 = arith.constant 192 : index
        %parallel_loop3A_400 = tpu.vector_load %arg7[%parallel_loop3A_397, %parallel_loop3A_398, %parallel_loop3A_399] {strides = array<i32>} : memref<2x64x256xf32, #tpu.memory_space<vmem>>, vector<16xf32>,
        tpu.vector_store %arg7[%parallel_loop3A_397, %parallel_loop3A_398, %parallel_loop3A_399], %parallel_loop3A_396 {strides = array<i32>} : memref<2x64x256xf32, #tpu.memory_space<vmem>>, vector<16xf32>,
        %parallel_loop3A_401 = tpu.vector_load_idx %arg6[%parallel_loop3A_335, %get3A_161] : memref<64x1001xf32, #tpu.memory_space<vmem>>[vector<16xi32>, vector<16xi32>], vector<16xf32>,
        %parallel_loop3A_402 = arith.index_cast %select_n3A_106 : i32 to index
        %parallel_loop3A_403 = arith.index_cast %parallel_loop3A_333 : i32 to index
        %parallel_loop3A_404 = arith.constant 208 : index
        %parallel_loop3A_405 = tpu.vector_load %arg7[%parallel_loop3A_402, %parallel_loop3A_403, %parallel_loop3A_404] {strides = array<i32>} : memref<2x64x256xf32, #tpu.memory_space<vmem>>, vector<16xf32>,
        tpu.vector_store %arg7[%parallel_loop3A_402, %parallel_loop3A_403, %parallel_loop3A_404], %parallel_loop3A_401 {strides = array<i32>} : memref<2x64x256xf32, #tpu.memory_space<vmem>>, vector<16xf32>,
        %parallel_loop3A_406 = tpu.vector_load_idx %arg6[%parallel_loop3A_335, %get3A_165] : memref<64x1001xf32, #tpu.memory_space<vmem>>[vector<16xi32>, vector<16xi32>], vector<16xf32>,
        %parallel_loop3A_407 = arith.index_cast %select_n3A_106 : i32 to index
        %parallel_loop3A_408 = arith.index_cast %parallel_loop3A_333 : i32 to index
        %parallel_loop3A_409 = arith.constant 224 : index
        %parallel_loop3A_410 = tpu.vector_load %arg7[%parallel_loop3A_407, %parallel_loop3A_408, %parallel_loop3A_409] {strides = array<i32>} : memref<2x64x256xf32, #tpu.memory_space<vmem>>, vector<16xf32>,
        tpu.vector_store %arg7[%parallel_loop3A_407, %parallel_loop3A_408, %parallel_loop3A_409], %parallel_loop3A_406 {strides = array<i32>} : memref<2x64x256xf32, #tpu.memory_space<vmem>>, vector<16xf32>,
        %parallel_loop3A_411 = tpu.vector_load_idx %arg6[%parallel_loop3A_335, %get3A_169] : memref<64x1001xf32, #tpu.memory_space<vmem>>[vector<16xi32>, vector<16xi32>], vector<16xf32>,
        %parallel_loop3A_412 = arith.index_cast %select_n3A_106 : i32 to index
        %parallel_loop3A_413 = arith.index_cast %parallel_loop3A_333 : i32 to index
        %parallel_loop3A_414 = arith.constant 240 : index
        %parallel_loop3A_415 = tpu.vector_load %arg7[%parallel_loop3A_412, %parallel_loop3A_413, %parallel_loop3A_414] {strides = array<i32>} : memref<2x64x256xf32, #tpu.memory_space<vmem>>, vector<16xf32>,
        tpu.vector_store %arg7[%parallel_loop3A_412, %parallel_loop3A_413, %parallel_loop3A_414], %parallel_loop3A_411 {strides = array<i32>} : memref<2x64x256xf32, #tpu.memory_space<vmem>>, vector<16xf32>,
      } {sc.loop_unroll_factor = 2 : i64, sc.parallel_access}
      %jit3A_172 = arith.constant 2 : i32
      %eq3A_173 = arith.constant 0 : i32
      %eq3A_174 = arith.cmpi eq, %jit3A_172, %eq3A_173 : i32
      %jit3A_175 = arith.constant 1 : i32
      %select_n3A_176 = arith.select %eq3A_174, %jit3A_175, %jit3A_172 : i32
      %rem3A_177 = arith.remsi %add3A_82, %select_n3A_176 : i32
      %ne3A_178 = arith.constant 0 : i32
      %ne3A_179 = arith.cmpi ne, %rem3A_177, %ne3A_178 : i32
      %lt3A_180 = arith.constant 0 : i32
      %lt3A_181 = arith.cmpi slt, %rem3A_177, %lt3A_180 : i32
      %lt3A_182 = arith.constant 0 : i32
      %lt3A_183 = arith.cmpi slt, %select_n3A_176, %lt3A_182 : i32
      %ne3A_184 = arith.xori %lt3A_181, %lt3A_183 : i1
      %and3A_185 = arith.andi %ne3A_184, %ne3A_179 : i1
      %add3A_186 = arith.addi %rem3A_177, %select_n3A_176 : i32
      %select_n3A_187 = arith.select %and3A_185, %add3A_186, %rem3A_177 : i32
      %add3A_188 = arith.constant 0 : i32
      %add3A_189 = arith.addi %mul3A_2, %add3A_188 : i32
      %dma_start3A_190 = arith.constant 0 : i32
      %dma_start3A_191 = arith.constant 0 : i32
      %dma_start3A_192 = tpu.memref_slice %arg7[%select_n3A_187, %dma_start3A_190, %dma_start3A_191] : memref<2x64x256xf32, #tpu.memory_space<vmem>> -> memref<1x64x256xf32, #tpu.memory_space<vmem>>
      %dma_start3A_193 = tpu.memref_squeeze %dma_start3A_192 : memref<1x64x256xf32, #tpu.memory_space<vmem>> -> memref<64x256xf32, #tpu.memory_space<vmem>>
      %dma_start3A_194 = arith.constant 0 : i32
      %dma_start3A_195 = tpu.memref_slice %arg4[%scan3A_54, %dma_start3A_194, %add3A_189] : memref<200x64x16384xf32, #tpu.memory_space<hbm>> -> memref<1x64x256xf32, #tpu.memory_space<hbm>>
      %dma_start3A_196 = tpu.memref_squeeze %dma_start3A_195 : memref<1x64x256xf32, #tpu.memory_space<hbm>> -> memref<64x256xf32, #tpu.memory_space<hbm>>
      %dma_start3A_197 = arith.constant 0 : i32
      %dma_start3A_198 = tpu.memref_slice %arg4[%scan3A_54, %dma_start3A_197, %add3A_189] : memref<200x64x16384xf32, #tpu.memory_space<hbm>> -> memref<1x64x256xf32, #tpu.memory_space<hbm>>
      %dma_start3A_199 = tpu.memref_squeeze %dma_start3A_198 : memref<1x64x256xf32, #tpu.memory_space<hbm>> -> memref<64x256xf32, #tpu.memory_space<hbm>>
      %dma_start3A_200 = arith.constant 0 : i32
      %dma_start3A_201 = arith.constant 0 : i32
      %dma_start3A_202 = tpu.memref_slice %arg7[%select_n3A_187, %dma_start3A_200, %dma_start3A_201] : memref<2x64x256xf32, #tpu.memory_space<vmem>> -> memref<1x64x256xf32, #tpu.memory_space<vmem>>
      %dma_start3A_203 = tpu.memref_squeeze %dma_start3A_202 : memref<1x64x256xf32, #tpu.memory_space<vmem>> -> memref<64x256xf32, #tpu.memory_space<vmem>>
      tpu.enqueue_dma source(%dma_start3A_203 : memref<64x256xf32, #tpu.memory_space<vmem>>) target(%dma_start3A_199 : memref<64x256xf32, #tpu.memory_space<hbm>>) target_semaphore(%arg9 : memref<!tpu.dma_semaphore, #tpu.memory_space<semaphore_mem>>)
      %mul3A_204 = arith.constant 2 : i32
      %mul3A_205 = arith.muli %scan3A_54, %mul3A_204 : i32
      %add3A_206 = arith.constant 1 : i32
      %add3A_207 = arith.addi %mul3A_205, %add3A_206 : i32
      %ge3A_208 = arith.constant 2 : i32
      %ge3A_209 = arith.cmpi sge, %add3A_207, %ge3A_208 : i32
      %convert_element_type3A_210 = arith.extui %ge3A_209 : i1 to i32
      %cond3A_211 = arith.constant 0 : i32
      %cond3A_212 = arith.cmpi ne, %convert_element_type3A_210, %cond3A_211 : i32
      scf.if %cond3A_212 {
        %jit3A_333 = arith.constant 2 : i32
        %eq3A_334 = arith.constant 0 : i32
        %eq3A_335 = arith.cmpi eq, %jit3A_333, %eq3A_334 : i32
        %jit3A_336 = arith.constant 1 : i32
        %select_n3A_337 = arith.select %eq3A_335, %jit3A_336, %jit3A_333 : i32
        %rem3A_338 = arith.remsi %add3A_207, %select_n3A_337 : i32
        %ne3A_339 = arith.constant 0 : i32
        %ne3A_340 = arith.cmpi ne, %rem3A_338, %ne3A_339 : i32
        %lt3A_341 = arith.constant 0 : i32
        %lt3A_342 = arith.cmpi slt, %rem3A_338, %lt3A_341 : i32
        %lt3A_343 = arith.constant 0 : i32
        %lt3A_344 = arith.cmpi slt, %select_n3A_337, %lt3A_343 : i32
        %ne3A_345 = arith.xori %lt3A_342, %lt3A_344 : i1
        %and3A_346 = arith.andi %ne3A_345, %ne3A_340 : i1
        %add3A_347 = arith.addi %rem3A_338, %select_n3A_337 : i32
        %select_n3A_348 = arith.select %and3A_346, %add3A_347, %rem3A_338 : i32
        %add3A_349 = arith.constant 0 : i32
        %add3A_350 = arith.addi %mul3A_2, %add3A_349 : i32
        %dma_wait3A_351 = arith.constant 0 : i32
        %dma_wait3A_352 = arith.constant 0 : i32
        %dma_wait3A_353 = arith.constant 0 : i32
        %dma_wait3A_354 = tpu.memref_slice %arg7[%select_n3A_348, %dma_wait3A_352, %dma_wait3A_353] : memref<2x64x256xf32, #tpu.memory_space<vmem>> -> memref<1x64x256xf32, #tpu.memory_space<vmem>>
        %dma_wait3A_355 = tpu.memref_squeeze %dma_wait3A_354 : memref<1x64x256xf32, #tpu.memory_space<vmem>> -> memref<64x256xf32, #tpu.memory_space<vmem>>
        %dma_wait3A_356 = arith.constant 0 : i32
        %dma_wait3A_357 = tpu.memref_slice %arg4[%dma_wait3A_351, %dma_wait3A_356, %add3A_350] : memref<200x64x16384xf32, #tpu.memory_space<hbm>> -> memref<1x64x256xf32, #tpu.memory_space<hbm>>
        %dma_wait3A_358 = tpu.memref_squeeze %dma_wait3A_357 : memref<1x64x256xf32, #tpu.memory_space<hbm>> -> memref<64x256xf32, #tpu.memory_space<hbm>>
        %dma_wait3A_359 = arith.constant 0 : i32
        %dma_wait3A_360 = tpu.memref_slice %arg4[%dma_wait3A_351, %dma_wait3A_359, %add3A_350] : memref<200x64x16384xf32, #tpu.memory_space<hbm>> -> memref<1x64x256xf32, #tpu.memory_space<hbm>>
        %dma_wait3A_361 = tpu.memref_squeeze %dma_wait3A_360 : memref<1x64x256xf32, #tpu.memory_space<hbm>> -> memref<64x256xf32, #tpu.memory_space<hbm>>
        %dma_wait3A_362 = arith.constant 0 : i32
        %dma_wait3A_363 = arith.constant 0 : i32
        %dma_wait3A_364 = tpu.memref_slice %arg7[%select_n3A_348, %dma_wait3A_362, %dma_wait3A_363] : memref<2x64x256xf32, #tpu.memory_space<vmem>> -> memref<1x64x256xf32, #tpu.memory_space<vmem>>
        %dma_wait3A_365 = tpu.memref_squeeze %dma_wait3A_364 : memref<1x64x256xf32, #tpu.memory_space<vmem>> -> memref<64x256xf32, #tpu.memory_space<vmem>>
        tpu.wait_dma2 semaphore(%arg9 : memref<!tpu.dma_semaphore, #tpu.memory_space<semaphore_mem>>) src(%dma_wait3A_365 : memref<64x256xf32, #tpu.memory_space<vmem>>) dst(%dma_wait3A_361 : memref<64x256xf32, #tpu.memory_space<hbm>>)
      } else {
      }
      %mul3A_213 = arith.constant 512 : i32
      %mul3A_214 = arith.muli %select_n3A_64, %mul3A_213 : i32
      %add3A_215 = arith.constant 256 : i32
      %add3A_216 = arith.addi %mul3A_214, %add3A_215 : i32
      %jit3A_217 = arith.constant 2 : i32
      %eq3A_218 = arith.constant 0 : i32
      %eq3A_219 = arith.cmpi eq, %jit3A_217, %eq3A_218 : i32
      %jit3A_220 = arith.constant 1 : i32
      %select_n3A_221 = arith.select %eq3A_219, %jit3A_220, %jit3A_217 : i32
      %rem3A_222 = arith.remsi %add3A_207, %select_n3A_221 : i32
      %ne3A_223 = arith.constant 0 : i32
      %ne3A_224 = arith.cmpi ne, %rem3A_222, %ne3A_223 : i32
      %lt3A_225 = arith.constant 0 : i32
      %lt3A_226 = arith.cmpi slt, %rem3A_222, %lt3A_225 : i32
      %lt3A_227 = arith.constant 0 : i32
      %lt3A_228 = arith.cmpi slt, %select_n3A_221, %lt3A_227 : i32
      %ne3A_229 = arith.xori %lt3A_226, %lt3A_228 : i1
      %and3A_230 = arith.andi %ne3A_229, %ne3A_224 : i1
      %add3A_231 = arith.addi %rem3A_222, %select_n3A_221 : i32
      %select_n3A_232 = arith.select %and3A_230, %add3A_231, %rem3A_222 : i32
      %add3A_233 = arith.constant 0 : i32
      %add3A_234 = arith.addi %add3A_216, %add3A_233 : i32
      %get3A_235 = arith.index_cast %add3A_234 : i32 to index
      %get3A_236 = tpu.vector_load %arg5[%get3A_235] {strides = array<i32>} : memref<1024xi32, #tpu.memory_space<vmem>>, vector<16xi32>,
      %add3A_237 = arith.constant 16 : i32
      %add3A_238 = arith.addi %add3A_216, %add3A_237 : i32
      %get3A_239 = arith.index_cast %add3A_238 : i32 to index
      %get3A_240 = tpu.vector_load %arg5[%get3A_239] {strides = array<i32>} : memref<1024xi32, #tpu.memory_space<vmem>>, vector<16xi32>,
      %add3A_241 = arith.constant 32 : i32
      %add3A_242 = arith.addi %add3A_216, %add3A_241 : i32
      %get3A_243 = arith.index_cast %add3A_242 : i32 to index
      %get3A_244 = tpu.vector_load %arg5[%get3A_243] {strides = array<i32>} : memref<1024xi32, #tpu.memory_space<vmem>>, vector<16xi32>,
      %add3A_245 = arith.constant 48 : i32
      %add3A_246 = arith.addi %add3A_216, %add3A_245 : i32
      %get3A_247 = arith.index_cast %add3A_246 : i32 to index
      %get3A_248 = tpu.vector_load %arg5[%get3A_247] {strides = array<i32>} : memref<1024xi32, #tpu.memory_space<vmem>>, vector<16xi32>,
      %add3A_249 = arith.constant 64 : i32
      %add3A_250 = arith.addi %add3A_216, %add3A_249 : i32
      %get3A_251 = arith.index_cast %add3A_250 : i32 to index
      %get3A_252 = tpu.vector_load %arg5[%get3A_251] {strides = array<i32>} : memref<1024xi32, #tpu.memory_space<vmem>>, vector<16xi32>,
      %add3A_253 = arith.constant 80 : i32
      %add3A_254 = arith.addi %add3A_216, %add3A_253 : i32
      %get3A_255 = arith.index_cast %add3A_254 : i32 to index
      %get3A_256 = tpu.vector_load %arg5[%get3A_255] {strides = array<i32>} : memref<1024xi32, #tpu.memory_space<vmem>>, vector<16xi32>,
      %add3A_257 = arith.constant 96 : i32
      %add3A_258 = arith.addi %add3A_216, %add3A_257 : i32
      %get3A_259 = arith.index_cast %add3A_258 : i32 to index
      %get3A_260 = tpu.vector_load %arg5[%get3A_259] {strides = array<i32>} : memref<1024xi32, #tpu.memory_space<vmem>>, vector<16xi32>,
      %add3A_261 = arith.constant 112 : i32
      %add3A_262 = arith.addi %add3A_216, %add3A_261 : i32
      %get3A_263 = arith.index_cast %add3A_262 : i32 to index
      %get3A_264 = tpu.vector_load %arg5[%get3A_263] {strides = array<i32>} : memref<1024xi32, #tpu.memory_space<vmem>>, vector<16xi32>,
      %add3A_265 = arith.constant 128 : i32
      %add3A_266 = arith.addi %add3A_216, %add3A_265 : i32
      %get3A_267 = arith.index_cast %add3A_266 : i32 to index
      %get3A_268 = tpu.vector_load %arg5[%get3A_267] {strides = array<i32>} : memref<1024xi32, #tpu.memory_space<vmem>>, vector<16xi32>,
      %add3A_269 = arith.constant 144 : i32
      %add3A_270 = arith.addi %add3A_216, %add3A_269 : i32
      %get3A_271 = arith.index_cast %add3A_270 : i32 to index
      %get3A_272 = tpu.vector_load %arg5[%get3A_271] {strides = array<i32>} : memref<1024xi32, #tpu.memory_space<vmem>>, vector<16xi32>,
      %add3A_273 = arith.constant 160 : i32
      %add3A_274 = arith.addi %add3A_216, %add3A_273 : i32
      %get3A_275 = arith.index_cast %add3A_274 : i32 to index
      %get3A_276 = tpu.vector_load %arg5[%get3A_275] {strides = array<i32>} : memref<1024xi32, #tpu.memory_space<vmem>>, vector<16xi32>,
      %add3A_277 = arith.constant 176 : i32
      %add3A_278 = arith.addi %add3A_216, %add3A_277 : i32
      %get3A_279 = arith.index_cast %add3A_278 : i32 to index
      %get3A_280 = tpu.vector_load %arg5[%get3A_279] {strides = array<i32>} : memref<1024xi32, #tpu.memory_space<vmem>>, vector<16xi32>,
      %add3A_281 = arith.constant 192 : i32
      %add3A_282 = arith.addi %add3A_216, %add3A_281 : i32
      %get3A_283 = arith.index_cast %add3A_282 : i32 to index
      %get3A_284 = tpu.vector_load %arg5[%get3A_283] {strides = array<i32>} : memref<1024xi32, #tpu.memory_space<vmem>>, vector<16xi32>,
      %add3A_285 = arith.constant 208 : i32
      %add3A_286 = arith.addi %add3A_216, %add3A_285 : i32
      %get3A_287 = arith.index_cast %add3A_286 : i32 to index
      %get3A_288 = tpu.vector_load %arg5[%get3A_287] {strides = array<i32>} : memref<1024xi32, #tpu.memory_space<vmem>>, vector<16xi32>,
      %add3A_289 = arith.constant 224 : i32
      %add3A_290 = arith.addi %add3A_216, %add3A_289 : i32
      %get3A_291 = arith.index_cast %add3A_290 : i32 to index
      %get3A_292 = tpu.vector_load %arg5[%get3A_291] {strides = array<i32>} : memref<1024xi32, #tpu.memory_space<vmem>>, vector<16xi32>,
      %add3A_293 = arith.constant 240 : i32
      %add3A_294 = arith.addi %add3A_216, %add3A_293 : i32
      %get3A_295 = arith.index_cast %add3A_294 : i32 to index
      %get3A_296 = tpu.vector_load %arg5[%get3A_295] {strides = array<i32>} : memref<1024xi32, #tpu.memory_space<vmem>>, vector<16xi32>,
      %parallel_loop3A_297 = arith.constant 0 : i32
      %parallel_loop3A_298 = arith.constant 64 : i32
      %parallel_loop3A_299 = arith.constant 1 : i32
      scf.for %parallel_loop3A_333 = %parallel_loop3A_297 to %parallel_loop3A_298 step %parallel_loop3A_299  : i32 {
        %parallel_loop3A_334 = vector.broadcast %parallel_loop3A_333 : i32 to vector<16xi32>
        %parallel_loop3A_335 = arith.addi %mul3A_5, %parallel_loop3A_334 : vector<16xi32>
        %parallel_loop3A_336 = tpu.vector_load_idx %arg6[%parallel_loop3A_335, %get3A_236] : memref<64x1001xf32, #tpu.memory_space<vmem>>[vector<16xi32>, vector<16xi32>], vector<16xf32>,
        %parallel_loop3A_337 = arith.index_cast %select_n3A_232 : i32 to index
        %parallel_loop3A_338 = arith.index_cast %parallel_loop3A_333 : i32 to index
        %parallel_loop3A_339 = arith.constant 0 : index
        %parallel_loop3A_340 = tpu.vector_load %arg7[%parallel_loop3A_337, %parallel_loop3A_338, %parallel_loop3A_339] {strides = array<i32>} : memref<2x64x256xf32, #tpu.memory_space<vmem>>, vector<16xf32>,
        tpu.vector_store %arg7[%parallel_loop3A_337, %parallel_loop3A_338, %parallel_loop3A_339], %parallel_loop3A_336 {strides = array<i32>} : memref<2x64x256xf32, #tpu.memory_space<vmem>>, vector<16xf32>,
        %parallel_loop3A_341 = tpu.vector_load_idx %arg6[%parallel_loop3A_335, %get3A_240] : memref<64x1001xf32, #tpu.memory_space<vmem>>[vector<16xi32>, vector<16xi32>], vector<16xf32>,
        %parallel_loop3A_342 = arith.index_cast %select_n3A_232 : i32 to index
        %parallel_loop3A_343 = arith.index_cast %parallel_loop3A_333 : i32 to index
        %parallel_loop3A_344 = arith.constant 16 : index
        %parallel_loop3A_345 = tpu.vector_load %arg7[%parallel_loop3A_342, %parallel_loop3A_343, %parallel_loop3A_344] {strides = array<i32>} : memref<2x64x256xf32, #tpu.memory_space<vmem>>, vector<16xf32>,
        tpu.vector_store %arg7[%parallel_loop3A_342, %parallel_loop3A_343, %parallel_loop3A_344], %parallel_loop3A_341 {strides = array<i32>} : memref<2x64x256xf32, #tpu.memory_space<vmem>>, vector<16xf32>,
        %parallel_loop3A_346 = tpu.vector_load_idx %arg6[%parallel_loop3A_335, %get3A_244] : memref<64x1001xf32, #tpu.memory_space<vmem>>[vector<16xi32>, vector<16xi32>], vector<16xf32>,
        %parallel_loop3A_347 = arith.index_cast %select_n3A_232 : i32 to index
        %parallel_loop3A_348 = arith.index_cast %parallel_loop3A_333 : i32 to index
        %parallel_loop3A_349 = arith.constant 32 : index
        %parallel_loop3A_350 = tpu.vector_load %arg7[%parallel_loop3A_347, %parallel_loop3A_348, %parallel_loop3A_349] {strides = array<i32>} : memref<2x64x256xf32, #tpu.memory_space<vmem>>, vector<16xf32>,
        tpu.vector_store %arg7[%parallel_loop3A_347, %parallel_loop3A_348, %parallel_loop3A_349], %parallel_loop3A_346 {strides = array<i32>} : memref<2x64x256xf32, #tpu.memory_space<vmem>>, vector<16xf32>,
        %parallel_loop3A_351 = tpu.vector_load_idx %arg6[%parallel_loop3A_335, %get3A_248] : memref<64x1001xf32, #tpu.memory_space<vmem>>[vector<16xi32>, vector<16xi32>], vector<16xf32>,
        %parallel_loop3A_352 = arith.index_cast %select_n3A_232 : i32 to index
        %parallel_loop3A_353 = arith.index_cast %parallel_loop3A_333 : i32 to index
        %parallel_loop3A_354 = arith.constant 48 : index
        %parallel_loop3A_355 = tpu.vector_load %arg7[%parallel_loop3A_352, %parallel_loop3A_353, %parallel_loop3A_354] {strides = array<i32>} : memref<2x64x256xf32, #tpu.memory_space<vmem>>, vector<16xf32>,
        tpu.vector_store %arg7[%parallel_loop3A_352, %parallel_loop3A_353, %parallel_loop3A_354], %parallel_loop3A_351 {strides = array<i32>} : memref<2x64x256xf32, #tpu.memory_space<vmem>>, vector<16xf32>,
        %parallel_loop3A_356 = tpu.vector_load_idx %arg6[%parallel_loop3A_335, %get3A_252] : memref<64x1001xf32, #tpu.memory_space<vmem>>[vector<16xi32>, vector<16xi32>], vector<16xf32>,
        %parallel_loop3A_357 = arith.index_cast %select_n3A_232 : i32 to index
        %parallel_loop3A_358 = arith.index_cast %parallel_loop3A_333 : i32 to index
        %parallel_loop3A_359 = arith.constant 64 : index
        %parallel_loop3A_360 = tpu.vector_load %arg7[%parallel_loop3A_357, %parallel_loop3A_358, %parallel_loop3A_359] {strides = array<i32>} : memref<2x64x256xf32, #tpu.memory_space<vmem>>, vector<16xf32>,
        tpu.vector_store %arg7[%parallel_loop3A_357, %parallel_loop3A_358, %parallel_loop3A_359], %parallel_loop3A_356 {strides = array<i32>} : memref<2x64x256xf32, #tpu.memory_space<vmem>>, vector<16xf32>,
        %parallel_loop3A_361 = tpu.vector_load_idx %arg6[%parallel_loop3A_335, %get3A_256] : memref<64x1001xf32, #tpu.memory_space<vmem>>[vector<16xi32>, vector<16xi32>], vector<16xf32>,
        %parallel_loop3A_362 = arith.index_cast %select_n3A_232 : i32 to index
        %parallel_loop3A_363 = arith.index_cast %parallel_loop3A_333 : i32 to index
        %parallel_loop3A_364 = arith.constant 80 : index
        %parallel_loop3A_365 = tpu.vector_load %arg7[%parallel_loop3A_362, %parallel_loop3A_363, %parallel_loop3A_364] {strides = array<i32>} : memref<2x64x256xf32, #tpu.memory_space<vmem>>, vector<16xf32>,
        tpu.vector_store %arg7[%parallel_loop3A_362, %parallel_loop3A_363, %parallel_loop3A_364], %parallel_loop3A_361 {strides = array<i32>} : memref<2x64x256xf32, #tpu.memory_space<vmem>>, vector<16xf32>,
        %parallel_loop3A_366 = tpu.vector_load_idx %arg6[%parallel_loop3A_335, %get3A_260] : memref<64x1001xf32, #tpu.memory_space<vmem>>[vector<16xi32>, vector<16xi32>], vector<16xf32>,
        %parallel_loop3A_367 = arith.index_cast %select_n3A_232 : i32 to index
        %parallel_loop3A_368 = arith.index_cast %parallel_loop3A_333 : i32 to index
        %parallel_loop3A_369 = arith.constant 96 : index
        %parallel_loop3A_370 = tpu.vector_load %arg7[%parallel_loop3A_367, %parallel_loop3A_368, %parallel_loop3A_369] {strides = array<i32>} : memref<2x64x256xf32, #tpu.memory_space<vmem>>, vector<16xf32>,
        tpu.vector_store %arg7[%parallel_loop3A_367, %parallel_loop3A_368, %parallel_loop3A_369], %parallel_loop3A_366 {strides = array<i32>} : memref<2x64x256xf32, #tpu.memory_space<vmem>>, vector<16xf32>,
        %parallel_loop3A_371 = tpu.vector_load_idx %arg6[%parallel_loop3A_335, %get3A_264] : memref<64x1001xf32, #tpu.memory_space<vmem>>[vector<16xi32>, vector<16xi32>], vector<16xf32>,
        %parallel_loop3A_372 = arith.index_cast %select_n3A_232 : i32 to index
        %parallel_loop3A_373 = arith.index_cast %parallel_loop3A_333 : i32 to index
        %parallel_loop3A_374 = arith.constant 112 : index
        %parallel_loop3A_375 = tpu.vector_load %arg7[%parallel_loop3A_372, %parallel_loop3A_373, %parallel_loop3A_374] {strides = array<i32>} : memref<2x64x256xf32, #tpu.memory_space<vmem>>, vector<16xf32>,
        tpu.vector_store %arg7[%parallel_loop3A_372, %parallel_loop3A_373, %parallel_loop3A_374], %parallel_loop3A_371 {strides = array<i32>} : memref<2x64x256xf32, #tpu.memory_space<vmem>>, vector<16xf32>,
        %parallel_loop3A_376 = tpu.vector_load_idx %arg6[%parallel_loop3A_335, %get3A_268] : memref<64x1001xf32, #tpu.memory_space<vmem>>[vector<16xi32>, vector<16xi32>], vector<16xf32>,
        %parallel_loop3A_377 = arith.index_cast %select_n3A_232 : i32 to index
        %parallel_loop3A_378 = arith.index_cast %parallel_loop3A_333 : i32 to index
        %parallel_loop3A_379 = arith.constant 128 : index
        %parallel_loop3A_380 = tpu.vector_load %arg7[%parallel_loop3A_377, %parallel_loop3A_378, %parallel_loop3A_379] {strides = array<i32>} : memref<2x64x256xf32, #tpu.memory_space<vmem>>, vector<16xf32>,
        tpu.vector_store %arg7[%parallel_loop3A_377, %parallel_loop3A_378, %parallel_loop3A_379], %parallel_loop3A_376 {strides = array<i32>} : memref<2x64x256xf32, #tpu.memory_space<vmem>>, vector<16xf32>,
        %parallel_loop3A_381 = tpu.vector_load_idx %arg6[%parallel_loop3A_335, %get3A_272] : memref<64x1001xf32, #tpu.memory_space<vmem>>[vector<16xi32>, vector<16xi32>], vector<16xf32>,
        %parallel_loop3A_382 = arith.index_cast %select_n3A_232 : i32 to index
        %parallel_loop3A_383 = arith.index_cast %parallel_loop3A_333 : i32 to index
        %parallel_loop3A_384 = arith.constant 144 : index
        %parallel_loop3A_385 = tpu.vector_load %arg7[%parallel_loop3A_382, %parallel_loop3A_383, %parallel_loop3A_384] {strides = array<i32>} : memref<2x64x256xf32, #tpu.memory_space<vmem>>, vector<16xf32>,
        tpu.vector_store %arg7[%parallel_loop3A_382, %parallel_loop3A_383, %parallel_loop3A_384], %parallel_loop3A_381 {strides = array<i32>} : memref<2x64x256xf32, #tpu.memory_space<vmem>>, vector<16xf32>,
        %parallel_loop3A_386 = tpu.vector_load_idx %arg6[%parallel_loop3A_335, %get3A_276] : memref<64x1001xf32, #tpu.memory_space<vmem>>[vector<16xi32>, vector<16xi32>], vector<16xf32>,
        %parallel_loop3A_387 = arith.index_cast %select_n3A_232 : i32 to index
        %parallel_loop3A_388 = arith.index_cast %parallel_loop3A_333 : i32 to index
        %parallel_loop3A_389 = arith.constant 160 : index
        %parallel_loop3A_390 = tpu.vector_load %arg7[%parallel_loop3A_387, %parallel_loop3A_388, %parallel_loop3A_389] {strides = array<i32>} : memref<2x64x256xf32, #tpu.memory_space<vmem>>, vector<16xf32>,
        tpu.vector_store %arg7[%parallel_loop3A_387, %parallel_loop3A_388, %parallel_loop3A_389], %parallel_loop3A_386 {strides = array<i32>} : memref<2x64x256xf32, #tpu.memory_space<vmem>>, vector<16xf32>,
        %parallel_loop3A_391 = tpu.vector_load_idx %arg6[%parallel_loop3A_335, %get3A_280] : memref<64x1001xf32, #tpu.memory_space<vmem>>[vector<16xi32>, vector<16xi32>], vector<16xf32>,
        %parallel_loop3A_392 = arith.index_cast %select_n3A_232 : i32 to index
        %parallel_loop3A_393 = arith.index_cast %parallel_loop3A_333 : i32 to index
        %parallel_loop3A_394 = arith.constant 176 : index
        %parallel_loop3A_395 = tpu.vector_load %arg7[%parallel_loop3A_392, %parallel_loop3A_393, %parallel_loop3A_394] {strides = array<i32>} : memref<2x64x256xf32, #tpu.memory_space<vmem>>, vector<16xf32>,
        tpu.vector_store %arg7[%parallel_loop3A_392, %parallel_loop3A_393, %parallel_loop3A_394], %parallel_loop3A_391 {strides = array<i32>} : memref<2x64x256xf32, #tpu.memory_space<vmem>>, vector<16xf32>,
        %parallel_loop3A_396 = tpu.vector_load_idx %arg6[%parallel_loop3A_335, %get3A_284] : memref<64x1001xf32, #tpu.memory_space<vmem>>[vector<16xi32>, vector<16xi32>], vector<16xf32>,
        %parallel_loop3A_397 = arith.index_cast %select_n3A_232 : i32 to index
        %parallel_loop3A_398 = arith.index_cast %parallel_loop3A_333 : i32 to index
        %parallel_loop3A_399 = arith.constant 192 : index
        %parallel_loop3A_400 = tpu.vector_load %arg7[%parallel_loop3A_397, %parallel_loop3A_398, %parallel_loop3A_399] {strides = array<i32>} : memref<2x64x256xf32, #tpu.memory_space<vmem>>, vector<16xf32>,
        tpu.vector_store %arg7[%parallel_loop3A_397, %parallel_loop3A_398, %parallel_loop3A_399], %parallel_loop3A_396 {strides = array<i32>} : memref<2x64x256xf32, #tpu.memory_space<vmem>>, vector<16xf32>,
        %parallel_loop3A_401 = tpu.vector_load_idx %arg6[%parallel_loop3A_335, %get3A_288] : memref<64x1001xf32, #tpu.memory_space<vmem>>[vector<16xi32>, vector<16xi32>], vector<16xf32>,
        %parallel_loop3A_402 = arith.index_cast %select_n3A_232 : i32 to index
        %parallel_loop3A_403 = arith.index_cast %parallel_loop3A_333 : i32 to index
        %parallel_loop3A_404 = arith.constant 208 : index
        %parallel_loop3A_405 = tpu.vector_load %arg7[%parallel_loop3A_402, %parallel_loop3A_403, %parallel_loop3A_404] {strides = array<i32>} : memref<2x64x256xf32, #tpu.memory_space<vmem>>, vector<16xf32>,
        tpu.vector_store %arg7[%parallel_loop3A_402, %parallel_loop3A_403, %parallel_loop3A_404], %parallel_loop3A_401 {strides = array<i32>} : memref<2x64x256xf32, #tpu.memory_space<vmem>>, vector<16xf32>,
        %parallel_loop3A_406 = tpu.vector_load_idx %arg6[%parallel_loop3A_335, %get3A_292] : memref<64x1001xf32, #tpu.memory_space<vmem>>[vector<16xi32>, vector<16xi32>], vector<16xf32>,
        %parallel_loop3A_407 = arith.index_cast %select_n3A_232 : i32 to index
        %parallel_loop3A_408 = arith.index_cast %parallel_loop3A_333 : i32 to index
        %parallel_loop3A_409 = arith.constant 224 : index
        %parallel_loop3A_410 = tpu.vector_load %arg7[%parallel_loop3A_407, %parallel_loop3A_408, %parallel_loop3A_409] {strides = array<i32>} : memref<2x64x256xf32, #tpu.memory_space<vmem>>, vector<16xf32>,
        tpu.vector_store %arg7[%parallel_loop3A_407, %parallel_loop3A_408, %parallel_loop3A_409], %parallel_loop3A_406 {strides = array<i32>} : memref<2x64x256xf32, #tpu.memory_space<vmem>>, vector<16xf32>,
        %parallel_loop3A_411 = tpu.vector_load_idx %arg6[%parallel_loop3A_335, %get3A_296] : memref<64x1001xf32, #tpu.memory_space<vmem>>[vector<16xi32>, vector<16xi32>], vector<16xf32>,
        %parallel_loop3A_412 = arith.index_cast %select_n3A_232 : i32 to index
        %parallel_loop3A_413 = arith.index_cast %parallel_loop3A_333 : i32 to index
        %parallel_loop3A_414 = arith.constant 240 : index
        %parallel_loop3A_415 = tpu.vector_load %arg7[%parallel_loop3A_412, %parallel_loop3A_413, %parallel_loop3A_414] {strides = array<i32>} : memref<2x64x256xf32, #tpu.memory_space<vmem>>, vector<16xf32>,
        tpu.vector_store %arg7[%parallel_loop3A_412, %parallel_loop3A_413, %parallel_loop3A_414], %parallel_loop3A_411 {strides = array<i32>} : memref<2x64x256xf32, #tpu.memory_space<vmem>>, vector<16xf32>,
      } {sc.loop_unroll_factor = 2 : i64, sc.parallel_access}
      %jit3A_300 = arith.constant 2 : i32
      %eq3A_301 = arith.constant 0 : i32
      %eq3A_302 = arith.cmpi eq, %jit3A_300, %eq3A_301 : i32
      %jit3A_303 = arith.constant 1 : i32
      %select_n3A_304 = arith.select %eq3A_302, %jit3A_303, %jit3A_300 : i32
      %rem3A_305 = arith.remsi %add3A_207, %select_n3A_304 : i32
      %ne3A_306 = arith.constant 0 : i32
      %ne3A_307 = arith.cmpi ne, %rem3A_305, %ne3A_306 : i32
      %lt3A_308 = arith.constant 0 : i32
      %lt3A_309 = arith.cmpi slt, %rem3A_305, %lt3A_308 : i32
      %lt3A_310 = arith.constant 0 : i32
      %lt3A_311 = arith.cmpi slt, %select_n3A_304, %lt3A_310 : i32
      %ne3A_312 = arith.xori %lt3A_309, %lt3A_311 : i1
      %and3A_313 = arith.andi %ne3A_312, %ne3A_307 : i1
      %add3A_314 = arith.addi %rem3A_305, %select_n3A_304 : i32
      %select_n3A_315 = arith.select %and3A_313, %add3A_314, %rem3A_305 : i32
      %add3A_316 = arith.constant 256 : i32
      %add3A_317 = arith.addi %mul3A_2, %add3A_316 : i32
      %dma_start3A_318 = arith.constant 0 : i32
      %dma_start3A_319 = arith.constant 0 : i32
      %dma_start3A_320 = tpu.memref_slice %arg7[%select_n3A_315, %dma_start3A_318, %dma_start3A_319] : memref<2x64x256xf32, #tpu.memory_space<vmem>> -> memref<1x64x256xf32, #tpu.memory_space<vmem>>
      %dma_start3A_321 = tpu.memref_squeeze %dma_start3A_320 : memref<1x64x256xf32, #tpu.memory_space<vmem>> -> memref<64x256xf32, #tpu.memory_space<vmem>>
      %dma_start3A_322 = arith.constant 0 : i32
      %dma_start3A_323 = tpu.memref_slice %arg4[%scan3A_54, %dma_start3A_322, %add3A_317] : memref<200x64x16384xf32, #tpu.memory_space<hbm>> -> memref<1x64x256xf32, #tpu.memory_space<hbm>>
      %dma_start3A_324 = tpu.memref_squeeze %dma_start3A_323 : memref<1x64x256xf32, #tpu.memory_space<hbm>> -> memref<64x256xf32, #tpu.memory_space<hbm>>
      %dma_start3A_325 = arith.constant 0 : i32
      %dma_start3A_326 = tpu.memref_slice %arg4[%scan3A_54, %dma_start3A_325, %add3A_317] : memref<200x64x16384xf32, #tpu.memory_space<hbm>> -> memref<1x64x256xf32, #tpu.memory_space<hbm>>
      %dma_start3A_327 = tpu.memref_squeeze %dma_start3A_326 : memref<1x64x256xf32, #tpu.memory_space<hbm>> -> memref<64x256xf32, #tpu.memory_space<hbm>>
      %dma_start3A_328 = arith.constant 0 : i32
      %dma_start3A_329 = arith.constant 0 : i32
      %dma_start3A_330 = tpu.memref_slice %arg7[%select_n3A_315, %dma_start3A_328, %dma_start3A_329] : memref<2x64x256xf32, #tpu.memory_space<vmem>> -> memref<1x64x256xf32, #tpu.memory_space<vmem>>
      %dma_start3A_331 = tpu.memref_squeeze %dma_start3A_330 : memref<1x64x256xf32, #tpu.memory_space<vmem>> -> memref<64x256xf32, #tpu.memory_space<vmem>>
      tpu.enqueue_dma source(%dma_start3A_331 : memref<64x256xf32, #tpu.memory_space<vmem>>) target(%dma_start3A_327 : memref<64x256xf32, #tpu.memory_space<hbm>>) target_semaphore(%arg9 : memref<!tpu.dma_semaphore, #tpu.memory_space<semaphore_mem>>)
      %scan3A_332 = arith.constant 0 : i32
      scf.yield %scan3A_332 : i32
    }
    %scan3A_18 = arith.constant 200 : i32
    %add3A_19 = arith.constant 0 : i32
    %add3A_20 = arith.addi %mul3A_2, %add3A_19 : i32
    %dma_wait3A = arith.constant 0 : i32
    %dma_wait3A_21 = arith.constant 0 : i32
    %dma_wait3A_22 = arith.constant 0 : i32
    %dma_wait3A_23 = arith.constant 0 : i32
    %dma_wait3A_24 = tpu.memref_slice %arg7[%dma_wait3A, %dma_wait3A_22, %dma_wait3A_23] : memref<2x64x256xf32, #tpu.memory_space<vmem>> -> memref<1x64x256xf32, #tpu.memory_space<vmem>>
    %dma_wait3A_25 = tpu.memref_squeeze %dma_wait3A_24 : memref<1x64x256xf32, #tpu.memory_space<vmem>> -> memref<64x256xf32, #tpu.memory_space<vmem>>
    %dma_wait3A_26 = arith.constant 0 : i32
    %dma_wait3A_27 = tpu.memref_slice %arg4[%dma_wait3A_21, %dma_wait3A_26, %add3A_20] : memref<200x64x16384xf32, #tpu.memory_space<hbm>> -> memref<1x64x256xf32, #tpu.memory_space<hbm>>
    %dma_wait3A_28 = tpu.memref_squeeze %dma_wait3A_27 : memref<1x64x256xf32, #tpu.memory_space<hbm>> -> memref<64x256xf32, #tpu.memory_space<hbm>>
    %dma_wait3A_29 = arith.constant 0 : i32
    %dma_wait3A_30 = tpu.memref_slice %arg4[%dma_wait3A_21, %dma_wait3A_29, %add3A_20] : memref<200x64x16384xf32, #tpu.memory_space<hbm>> -> memref<1x64x256xf32, #tpu.memory_space<hbm>>
    %dma_wait3A_31 = tpu.memref_squeeze %dma_wait3A_30 : memref<1x64x256xf32, #tpu.memory_space<hbm>> -> memref<64x256xf32, #tpu.memory_space<hbm>>
    %dma_wait3A_32 = arith.constant 0 : i32
    %dma_wait3A_33 = arith.constant 0 : i32
    %dma_wait3A_34 = tpu.memref_slice %arg7[%dma_wait3A, %dma_wait3A_32, %dma_wait3A_33] : memref<2x64x256xf32, #tpu.memory_space<vmem>> -> memref<1x64x256xf32, #tpu.memory_space<vmem>>
    %dma_wait3A_35 = tpu.memref_squeeze %dma_wait3A_34 : memref<1x64x256xf32, #tpu.memory_space<vmem>> -> memref<64x256xf32, #tpu.memory_space<vmem>>
    tpu.wait_dma2 semaphore(%arg9 : memref<!tpu.dma_semaphore, #tpu.memory_space<semaphore_mem>>) src(%dma_wait3A_35 : memref<64x256xf32, #tpu.memory_space<vmem>>) dst(%dma_wait3A_31 : memref<64x256xf32, #tpu.memory_space<hbm>>)
    %add3A_36 = arith.constant 0 : i32
    %add3A_37 = arith.addi %mul3A_2, %add3A_36 : i32
    %dma_wait3A_38 = arith.constant 1 : i32
    %dma_wait3A_39 = arith.constant 0 : i32
    %dma_wait3A_40 = arith.constant 0 : i32
    %dma_wait3A_41 = arith.constant 0 : i32
    %dma_wait3A_42 = tpu.memref_slice %arg7[%dma_wait3A_38, %dma_wait3A_40, %dma_wait3A_41] : memref<2x64x256xf32, #tpu.memory_space<vmem>> -> memref<1x64x256xf32, #tpu.memory_space<vmem>>
    %dma_wait3A_43 = tpu.memref_squeeze %dma_wait3A_42 : memref<1x64x256xf32, #tpu.memory_space<vmem>> -> memref<64x256xf32, #tpu.memory_space<vmem>>
    %dma_wait3A_44 = arith.constant 0 : i32
    %dma_wait3A_45 = tpu.memref_slice %arg4[%dma_wait3A_39, %dma_wait3A_44, %add3A_37] : memref<200x64x16384xf32, #tpu.memory_space<hbm>> -> memref<1x64x256xf32, #tpu.memory_space<hbm>>
    %dma_wait3A_46 = tpu.memref_squeeze %dma_wait3A_45 : memref<1x64x256xf32, #tpu.memory_space<hbm>> -> memref<64x256xf32, #tpu.memory_space<hbm>>
    %dma_wait3A_47 = arith.constant 0 : i32
    %dma_wait3A_48 = tpu.memref_slice %arg4[%dma_wait3A_39, %dma_wait3A_47, %add3A_37] : memref<200x64x16384xf32, #tpu.memory_space<hbm>> -> memref<1x64x256xf32, #tpu.memory_space<hbm>>
    %dma_wait3A_49 = tpu.memref_squeeze %dma_wait3A_48 : memref<1x64x256xf32, #tpu.memory_space<hbm>> -> memref<64x256xf32, #tpu.memory_space<hbm>>
    %dma_wait3A_50 = arith.constant 0 : i32
    %dma_wait3A_51 = arith.constant 0 : i32
    %dma_wait3A_52 = tpu.memref_slice %arg7[%dma_wait3A_38, %dma_wait3A_50, %dma_wait3A_51] : memref<2x64x256xf32, #tpu.memory_space<vmem>> -> memref<1x64x256xf32, #tpu.memory_space<vmem>>
    %dma_wait3A_53 = tpu.memref_squeeze %dma_wait3A_52 : memref<1x64x256xf32, #tpu.memory_space<vmem>> -> memref<64x256xf32, #tpu.memory_space<vmem>>
    tpu.wait_dma2 semaphore(%arg9 : memref<!tpu.dma_semaphore, #tpu.memory_space<semaphore_mem>>) src(%dma_wait3A_53 : memref<64x256xf32, #tpu.memory_space<vmem>>) dst(%dma_wait3A_49 : memref<64x256xf32, #tpu.memory_space<hbm>>)
    return
  }
}

</mosaic_0001>

<sc_bundles>
// kernel: _gather.3.cloned.1.call-start
scs
__scs_entry_jumppad:
0x0: {  	(pc) =	sbr.rel $0x88, $3  }
0x1: {  	(tag) =	ssettag $0x0;
	lr =	simm.s32 $0x1  }
0x2: {  	[smem:$0x3F9F] =	sst lr;
	_ =	strace $0xD0000000  }
0x3: {  	_ = 	snop  }
0x4: {  	_ = 	snop  }
0x5: {  	_ = 	snop  }
0x6: {  	_ = 	snop  }
0x7: {  	_ = 	snop  }
__scs_overlays_trampoline_lowered:
0x8: {  	[smem:$0x3FAE] =	sst s0  }
0x9: {  	[smem:$0x3FAF] =	sst s1  }
0xa: {  	[smem:$0x3FB0] =	sst s2  }
0xb: {  	[smem:$0x3FB1] =	sst s3  }
0xc: {  	[smem:$0x3FB2] =	sst s4  }
0xd: {  	[smem:$0x3FB3] =	sst s5  }
0xe: {  	[smem:$0x3FB4] =	sst s6  }
0xf: {  	[smem:$0x3FB5] =	sst s7  }
0x10: {  	[smem:$0x3FB6] =	sst s8  }
0x11: {  	[smem:$0x3FB7] =	sst s9;
	s0 =	simm.s32 @!p0 $0x0  }
0x12: {  	s1 =	sld [smem:$0x3F9D];
	s0 =	simm.s32 @p0 $0x1  }
0x13: {  	[smem:$0x3FB8] =	sst s0;
	s0 =	simm.s32 @!p1 $0x0  }
0x14: {  	s2 =	sld [smem:$0x3F9C];
	s0 =	simm.s32 @p1 $0x1  }
0x15: {  	[smem:$0x3FB9] =	sst s0;
	s0 =	simm.s32 @!p2 $0x0  }
0x16: {  	s3 =	sld [smem:$0x3FDB];
	s0 =	simm.s32 @p2 $0x1  }
0x17: {  	s4 =	simm.s32 $0x1BF5;
	[smem:$0x3FBB] =	sst s0  }
0x18: {  	s0 =	sld [smem:$0x3F9E];
	_ =	swait.ge [sflag:s4], $0x0  }
0x19: {  	s7 =	sld [smem:$0x3F9F]  }
0x1a: {  	s8 =	sadd.s32 $0xFFFFE003, lr  }
0x1b: {  	s9 =	sadd.s32 $0xFFFFFEF7, lr;
	s5 =	simm.s32 $0xFFFFFFFF;
	p2 =	slt.u32 s8, $0xFFFFF086  }
0x1c: {  	p1 =	slt.u32 s9, $0xF7A;
	s5 =	simm.s32 @!p2 $0x0  }
0x1d: {  	s5 =	simm.s32 @p1 $0x1;
	p0 =	seq.s32 s7, s2  }
0x1e: {  	s7 =	smul.u32 @!p0 $0xF7A, s2;
	p2 =	seq.s32 @!p0 s5, $0x0  }
0x1f: {  	s9 =	smul.u32 $0xF7A, s1;
	s8 =	simm.s32 @!p0 $0x1BF5;
	p2 =	por !p2, p0  }
0x20: {  	[sflag:s8] =	ssyncset.s32 @!p0 $0xFFFFF086;
	s6 =	sadd.s32 @!p0 s3, s7;
	s7 =	simm.s32 @!p0 $0x108  }
0x21: {  	s3 =	sadd.s32 s3, s9;
	s6 =	sadd.s32 @!p0 $0x88, s6;
	s7 =	simm.s32 @p2 $0x1082  }
0x22: {  	[simem:s7], [sflag:s8] =	dma.local @!p0 [hbm:s6], $0xF7A  }
0x23: {  	s9 =	sor.u32 $0xD0000000, s2;
	s6 =	simm.s32 $0x108;
	_ =	swait.ge @!p0 [sflag:s8], $0x0  }
0x24: {  	s3 =	sadd.s32 $0x88, s3;
	s6 =	simm.s32 @!p1 $0x1082;
	[sflag:s4] =	ssyncset.s32 $0xFFFFF086  }
0x25: {  	[simem:s6], [sflag:s4] =	dma.local [hbm:s3], $0xF7A  }
0x26: {  	[smem:$0x3F9F] =	sst s1;
	(tag) =	ssettag s2;
	_ =	strace s9  }
0x27: {  	s1 =	sld [smem:$0x3FAF]  }
0x28: {  	s2 =	sld [smem:$0x3FB0]  }
0x29: {  	s4 =	sld [smem:$0x3FB2]  }
0x2a: {  	p0 =	seq.s32 s5, $0x0;
	s5 =	sld [smem:$0x3FB3]  }
0x2b: {  	s6 =	sld [smem:$0x3FB4]  }
0x2c: {  	s7 =	sld [smem:$0x3FB5]  }
0x2d: {  	s3 =	simm.s32 $0x108;
	s8 =	sld [smem:$0x3FB6]  }
0x2e: {  	s3 =	simm.s32 @!p0 $0x1082;
	s9 =	sld [smem:$0x3FB7]  }
0x2f: {  	lr =	sadd.s32 s0, s3;
	s0 =	sld [smem:$0x3FAE]  }
0x30: {  	s3 =	sld [smem:$0x3FB1]  }
0x31: {  	[smem:$0x3FBA] =	sst s10  }
0x32: {  	s10 =	sld [smem:$0x3FB8];
	_ =	sdelay $0x3  }
0x33: {  	p0 =	seq.s32 s10, $0x1;
	s10 =	sld [smem:$0x3FBA];
	_ =	sdelay $0x3  }
0x34: {  	[smem:$0x3FBA] =	sst s10  }
0x35: {  	s10 =	sld [smem:$0x3FB9];
	_ =	sdelay $0x3  }
0x36: {  	p1 =	seq.s32 s10, $0x1;
	s10 =	sld [smem:$0x3FBA];
	_ =	sdelay $0x3  }
0x37: {  	[smem:$0x3FBA] =	sst s10  }
0x38: {  	s10 =	sld [smem:$0x3FBB]  }
0x39: {  	_ = 	snop;
	(pc) =	sbr.ind lr, $3  }
0x3a: {  	_ = 	snop  }
0x3b: {  	_ = 	snop  }
0x3c: {  	p2 =	seq.s32 s10, $0x1;
	s10 =	sld [smem:$0x3FBA]  }
0x3d: {  	_ =	shalt  }
0x3e: {  	_ =	shalt  }
0x3f: {  	_ =	shalt  }
0x40: {  	_ =	shalt  }
0x41: {  	_ =	shalt  }
0x42: {  	_ =	shalt  }
0x43: {  	_ =	shalt  }
0x44: {  	_ =	shalt  }
0x45: {  	_ =	shalt  }
0x46: {  	_ =	shalt  }
0x47: {  	_ =	shalt  }
0x48: {  	_ =	shalt  }
0x49: {  	_ =	shalt  }
0x4a: {  	_ =	shalt  }
0x4b: {  	_ =	shalt  }
0x4c: {  	_ =	shalt  }
0x4d: {  	_ =	shalt  }
0x4e: {  	_ =	shalt  }
0x4f: {  	_ =	shalt  }
0x50: {  	_ =	shalt  }
0x51: {  	_ =	shalt  }
0x52: {  	_ =	shalt  }
0x53: {  	_ =	shalt  }
0x54: {  	_ =	shalt  }
0x55: {  	_ =	shalt  }
0x56: {  	_ =	shalt  }
0x57: {  	_ =	shalt  }
0x58: {  	_ =	shalt  }
0x59: {  	_ =	shalt  }
0x5a: {  	_ =	shalt  }
0x5b: {  	_ =	shalt  }
0x5c: {  	_ =	shalt  }
0x5d: {  	_ =	shalt  }
0x5e: {  	_ =	shalt  }
0x5f: {  	_ =	shalt  }
0x60: {  	_ =	shalt  }
0x61: {  	_ =	shalt  }
0x62: {  	_ =	shalt  }
0x63: {  	_ =	shalt  }
0x64: {  	_ =	shalt  }
0x65: {  	_ =	shalt  }
0x66: {  	_ =	shalt  }
0x67: {  	_ =	shalt  }
0x68: {  	_ =	shalt  }
0x69: {  	_ =	shalt  }
0x6a: {  	_ =	shalt  }
0x6b: {  	_ =	shalt  }
0x6c: {  	_ =	shalt  }
0x6d: {  	_ =	shalt  }
0x6e: {  	_ =	shalt  }
0x6f: {  	_ =	shalt  }
0x70: {  	_ =	shalt  }
0x71: {  	_ =	shalt  }
0x72: {  	_ =	shalt  }
0x73: {  	_ =	shalt  }
0x74: {  	_ =	shalt  }
0x75: {  	_ =	shalt  }
0x76: {  	_ =	shalt  }
0x77: {  	_ =	shalt  }
0x78: {  	_ =	shalt  }
0x79: {  	_ =	shalt  }
0x7a: {  	_ =	shalt  }
0x7b: {  	_ =	shalt  }
0x7c: {  	_ =	shalt  }
0x7d: {  	_ =	shalt  }
0x7e: {  	_ =	shalt  }
0x7f: {  	_ =	shalt  }
0x80: {  	_ =	shalt  }
0x81: {  	_ =	shalt  }
0x82: {  	_ =	shalt  }
0x83: {  	_ =	shalt  }
0x84: {  	_ =	shalt  }
0x85: {  	_ =	shalt  }
0x86: {  	_ =	shalt  }
0x87: {  	_ =	shalt  }
.Lfunc_end0:
.L_simem_size_0:
called_computation_lowered:
.L_overlay_start_0:
0x88: {  	s2 =	sld [smem:$0x3FD9]  }
0x89: {  	s3 =	sld [smem:$0x3FFE];
	_ =	sdelay $0x1  }
0x8a: {  	s1 =	srdreg.scid  }
0x8b: {  	s0 =	sand.u32 $0x1, s1  }
0x8c: {  	s18 =	sshll.u32 s0, $0xA;
	s2 =	sadd.s32 s3, s2  }
0x8d: {  	s2 =	sadd.s32 s2, s18  }
0x8e: {  	[smem:$0x3FC6] =	sst s2  }
0x8f: {  	_ = 	snop  }
0x90: {  	s2 =	sld [smem:$0x3FC9]  }
0x91: {  	s19 =	sld [smem:$0x3FC8]  }
0x92: {  	s4 =	sld [smem:$0x3FD0];
	(tm) =	ssettm $0x1  }
0x93: {  	s5 =	sld [smem:$0x3FFB];
	_ =	sdelay $0x3  }
0x94: {  	_ =	strace s5  }
0x95: {  	s5 =	sld [smem:$0x3FFC];
	_ =	sdelay $0x3  }
0x96: {  	_ =	strace s5  }
0x97: {  	s5 =	sld [smem:$0x3FFD];
	_ =	sdelay $0x3  }
0x98: {  	_ =	strace s5  }
0x99: {  	_ =	strace $0x8FFFFFFF  }
0x9a: {  	s20 =	sld [smem:$0x3FDB];
	_ =	sdelay $0x1  }
0x9b: {  	s6 =	simm.s32 $_scs_section_size  }
0x9c: {  	s7 =	simm.s32 $_size__tile_overlayer_lowered;
	s8 =	simm.s32 $_tile_overlayer_lowered  }
0x9d: {  	s23 =	simm.s32 $0x1BFF;
	s22 =	sshll.u32 s8, $0x1;
	s5 =	sadd.s32 s6, s20  }
0x9e: {  	s9 =	simm.s32 $0x0;
	s21 =	sshll.u32 s7, $0x1;
	s7 =	sadd.s32 s22, s5  }
0x9f: {  	[timem:s9], [sflag:s23] =	dma.local [hbm:s7], s21  }
0xa0: {  	_ =	swait.ge [sflag:s23], s21  }
0xa1: {  	s6 =	ssub.s32 $0x0, s21;
	[sflag:s23] =	ssyncset.done $0x0  }
0xa2: {  	[sflag:s23] =	ssyncadd.s32 s6;
	_ =	sdelay $0x1  }
0xa3: {  	s24 =	simm.s32 $0x1B8B  }
0xa4: {  	_ =	swait.ge [sflag:s24], $0x1  }
0xa5: {  	[sflag:s24] =	ssyncset.done $0x0  }
0xa6: {  	s25 =	simm.s32 $0x1B8E;
	[sflag:s24] =	ssyncadd.s32 $0xFFFFFFFF  }
0xa7: {  	s26 =	simm.s32 $execute0_lowered;
	[smem:$0x3FD2] =	sst s25  }
0xa8: {  	s6 =	sshll.u32 s26, $0x1;
	_ =	strace $0x80000046;
	[dreg:$0x1] =	wrdreg $0xFFFFFFFF  }
0xa9: {  	s28 =	simm.s32 $_size_execute0_lowered;
	s5 =	sadd.s32 s5, s6;
	[dreg:$0x0] =	wrdreg $0x0  }
0xaa: {  	s6 =	sshll.u32 s28, $0x1;
	[dreg:$0x2] =	wrdreg s5  }
0xab: {  	[dreg:$0x3] =	wrdreg s6  }
0xac: {  	[dreg:$0x4] =	wrdreg $0xC0  }
0xad: {  	_ =	task [dreg:s9], $0x5FFFF  }
0xae: {  	[dreg:$0x1] =	wrdreg $0xFFFFFFFF  }
0xaf: {  	[dreg:$0x0] =	wrdreg $0x60  }
0xb0: {  	[dreg:$0x2] =	wrdreg s2  }
0xb1: {  	[dreg:$0x3] =	wrdreg s19  }
0xb2: {  	[dreg:$0x4] =	wrdreg s4  }
0xb3: {  	[dreg:$0x5] =	wrdreg $0x9  }
0xb4: {  	_ =	task.clear_ibuf [dreg:s9], $0x6FFFF;
	_ =	strace $0x90000046  }
0xb5: {  	s29 =	simm.s32 $0x9;
	_ =	strace $0x80000048  }
0xb6: {  	_ =	swait.ge [sflag:s29], $0x1  }
0xb7: {  	[sflag:s29] =	ssyncadd.s32 $0xFFFFFFFF  }
0xb8: {  	_ =	strace $0x90000048  }
0xb9: {  	_ =	sfence  }
0xba: {  	s30 =	sld [smem:$0x0];
	_ =	sdelay $0x2  }
0xbb: {  	s31 =	sshll.u32 s1, $0xD;
	s1 =	sshrl.u32 s1, $0x2  }
0xbc: {  	s3 =	sand.u32 $0x4000, s31;
	s1 =	sadd.s32 s1, s30  }
0xbd: {  	s0 =	sor.u32 s3, s0;
	s1 =	sshll.u32 s1, $0x11  }
0xbe: {  	s0 =	sor.u32 s1, s0  }
0xbf: {  	s0 =	sadd.s32 $0x8F2B, s0  }
0xc0: {  	[sflag:s0] =	ssyncadd.remote.s32 $0x1  }
0xc1: {  	_ =	sfence.sel $0xFFFF  }
0xc2: {  	[dreg:$0x0] =	wrdreg $0xFFFFFFFF;
	(pc) =	sbr.abs _section_cstart, $3  }
0xc3: {  	[dreg:$0x1] =	wrdreg $0xFFFFFFFF  }
0xc4: {  	_ =	task.clear_ibuf [dreg:s9], $0x2FFFF;
	_ =	strace $0x9FFFFFFF  }
0xc5: {  	(tm) =	ssettm $0x7FFFFFFF  }
tec
execute0_lowered:
.L_overlay_start_1:
0x0: {  	(tag) =	ssettag $0x1  }
0x1: {  	s1 =	rddreg [dreg:$0x0]  }
0x2: {  	s2 =	rddreg [dreg:$0x1]  }
0x3: {  	s6 =	rddreg [dreg:$0x2];
	s4 =	simm.s32 $0x0;
	s5 =	srdreg.scid  }
0x4: {  	s0 =	stileid.u32;
	s10 =	simm.s32 $0x400;
	s11 =	simm.s32 $0x3  }
0x5: {  	s12 =	simm.s32 $0x1;
	s13 =	simm.s32 $0x800;
	s14 =	simm.s32 $0x20000  }
0x6: {  	s15 =	simm.s32 $0x10400;
	s16 =	simm.s32 $0x14400;
	s17 =	simm.s32 $0x2  }
0x7: {  	s18 =	simm.s32 $0x0;
	[smem:$0x7FF] =	sst s4;
	s5 =	sand.u32 $0x1, s5  }
0x8: {  	s8 =	sshll.u32 s0, $0xA;
	s7 =	ssub.s32 $0x2, s5;
	s5 =	sshll.u32 s5, $0x9  }
0x9: {  	_ =	strace $0x80000047;
	s9 =	sshrl.u32 s7, $0x1;
	s5 =	sor.u32 s5, s8  }
0xa: {  	s9 =	ssub.s32 s7, s9;
	s31 =	sshrl.u32 s5, $0x3;
	s6 =	sadd.s32 s6, s5  }
0xb: {  	s7 =	sadd.s32 s1, s31;
	s8 =	sadd.s32 $0x100, s6;
	s9 =	smax.u32 s9, $0x1  }
.LBB2_1:
0xc: {  	[tilespmem:s10], [sflag:$0x3] =	stream.linear.gather [hbm4b:s2+s4], $0x10000, $0x38;
	[tilespmem:$0x18400] =	vst v63  }
0xd: {  	_ =	swait.ge [sflag:s11], $0x10000  }
0xe: {  	[sflag:s11] =	ssyncset.done $0x0  }
0xf: {  	s21 =	simm.s32 $0x0;
	[sflag:s11] =	ssyncadd.s32 $0xFFFF0000  }
0x10: {  	[tilespmem:s4], [sflag:$0x1] =	stream.linear.gather [hbm4b:s7+s4], $0x200, $0x38;
	[tilespmem:$0x18400] =	vst v63  }
.LBB2_2:
0x11: {  	s19 =	sadd.s32 $0x1, s21;
	p0 =	seq.s32 s21, $0xC7  }
0x12: {  	_ =	swait.ge [sflag:s12], $0x200;
	s20 =	sshll.u32 @!p0 s19, $0xE  }
0x13: {  	[sflag:s12] =	ssyncset.done $0x0;
	s22 =	sshll.u32 @!p0 s19, $0x9;
	s20 =	sor.u32 @!p0 s5, s20  }
0x14: {  	s23 =	simm.s32 @!p0 $0x0;
	p1 =	seq.s32 @!p0 s21, $0x0;
	s20 =	sshrl.u32 @!p0 s20, $0x3  }
0x15: {  	[sflag:s12] =	ssyncadd.s32 $0xFFFFFE00;
	s22 =	sand.u32 @!p0 $0x200, s22;
	s20 =	sadd.s32 @!p0 s1, s20  }
0x16: {  	[tilespmem:s22], [sflag:$0x1] =	stream.linear.gather @!p0 [hbm4b:s20+s23], $0x200, $0x38;
	[tilespmem:$0x18400] =	vst v63  }
0x17: {  	p0 =	por p0, !p1  }
0x18: {  	_ =	swait.ge @p0 [sflag:s17], $0x4000  }
0x19: {  	s24 =	sshll.u32 s21, $0x9;
	[sflag:s17] =	ssyncset.done @p0 $0x0  }
0x1a: {  	s20 =	sand.u32 $0x200, s24;
	[sflag:s17] =	ssyncadd.s32 @p0 $0xFFFFC000  }
0x1b: {  	v0 =	vld [tilespmem:s20+$0x0];
	_ =	sdelay $0x2  }
0x1c: {  	s25 =	simm.s32 $0x1;
	v4 =	vld [tilespmem:s20+$0x10]  }
0x1d: {  	v1 =	vmov s25;
	v5 =	vld [tilespmem:s20+$0x20]  }
0x1e: {  	v3 =	vshll.u32 v1, $0xA;
	v6 =	vld [tilespmem:s20+$0x30];
	v2 =	vshll.u32 v0, $0x3  }
0x1f: {  	s26 =	simm.s32 $0x0;
	v1 =	vshll.u32 v1, $0x7;
	v7 =	vld [tilespmem:s20+$0x40];
	v26 =	vand.u32 $0xFFFFFC00, v2;
	v2 =	vand.u32 $0xE000, v3  }
0x20: {  	v1 =	vand.u32 $0x380, v1;
	v14 =	vld [tilespmem:s20+$0x50];
	v3 =	vmov s26;
	v8 =	vadd.s32 v26, v2  }
0x21: {  	v15 =	vld [tilespmem:s20+$0x60];
	v28 =	vand.u32 $0x7F, v0;
	v0 =	vshll.u32 v3, $0xA;
	v8 =	vor.u32 v1, v8  }
0x22: {  	v16 =	vld [tilespmem:s20+$0x70];
	v9 =	vshll.u32 v3, $0x7;
	v3 =	vand.u32 $0xE000, v0;
	v8 =	vor.u32 v28, v8  }
0x23: {  	v17 =	vld [tilespmem:s20+$0x80];
	v0 =	vand.u32 $0x300, v9;
	v9 =	vadd.s32 v26, v3  }
0x24: {  	v18 =	vld [tilespmem:s20+$0x90];
	v10 =	vshll.u32 v4, $0x3;
	v9 =	vor.u32 v0, v9  }
0x25: {  	v13 =	vld [tilespmem:s20+$0xA0];
	v32 =	vand.u32 $0xFFFFFC00, v10;
	v10 =	vor.u32 v28, v9  }
0x26: {  	v12 =	vld [tilespmem:s20+$0xB0];
	v9 =	vadd.s32 v32, v2  }
0x27: {  	v30 =	vand.u32 $0x7F, v4;
	v4 =	vld.idx.msk [tilespmem:v8+s10+$0x0], $0xffff;
	v8 =	vor.u32 v1, v9  }
0x28: {  	v11 =	vld [tilespmem:s20+$0xC0];
	v19 =	vor.u32 v30, v8  }
0x29: {  	s30 =	simm.s32 $0x80;
	s22 =	sand.u32 $0x3800, s26;
	v20 =	vadd.s32 v32, v3;
	v9 =	vld [tilespmem:s20+$0xD0]  }
0x2a: {  	s31 =	sand.u32 $0x380, s30;
	s24 =	sor.u32 $0x10400, s22;
	v21 =	vshll.u32 v5, $0x3;
	v20 =	vor.u32 v0, v20;
	v22 =	vld.idx.msk [tilespmem:v10+s10+$0x0], $0xffff  }
0x2b: {  	s22 =	sor.u32 s31, s24;
	v33 =	vand.u32 $0xFFFFFC00, v21;
	v20 =	vor.u32 v30, v20;
	v8 =	vld [tilespmem:s20+$0xE0]  }
0x2c: {  	s0 =	simm.s32 $0x0;
	v10 =	vld [tilespmem:s20+$0xF0];
	[tilespmem:s22+$0x0] =	vst v4;
	v4 =	vadd.s32 v33, v2  }
0x2d: {  	s23 =	sand.u32 $0x300, s0;
	v34 =	vand.u32 $0x7F, v5;
	v5 =	vld.idx.msk [tilespmem:v19+s10+$0x0], $0xffff;
	v4 =	vor.u32 v1, v4  }
0x2e: {  	s23 =	sor.u32 s23, s24;
	v4 =	vor.u32 v34, v4  }
0x2f: {  	v19 =	vadd.s32 v33, v3;
	[tilespmem:s23+$0x0] =	vst v22  }
0x30: {  	v21 =	vshll.u32 v6, $0x3;
	v19 =	vor.u32 v0, v19;
	v20 =	vld.idx.msk [tilespmem:v20+s10+$0x0], $0xffff  }
0x31: {  	v37 =	vand.u32 $0xFFFFFC00, v21;
	v19 =	vor.u32 v34, v19  }
0x32: {  	[tilespmem:s22+$0x10] =	vst v5;
	v5 =	vadd.s32 v37, v2  }
0x33: {  	v36 =	vand.u32 $0x7F, v6;
	v4 =	vld.idx.msk [tilespmem:v4+s10+$0x0], $0xffff;
	v5 =	vor.u32 v1, v5  }
0x34: {  	v5 =	vor.u32 v36, v5  }
0x35: {  	v6 =	vadd.s32 v37, v3;
	[tilespmem:s23+$0x10] =	vst v20  }
0x36: {  	v6 =	vor.u32 v0, v6;
	v20 =	vshll.u32 v7, $0x3;
	v19 =	vld.idx.msk [tilespmem:v19+s10+$0x0], $0xffff  }
0x37: {  	v6 =	vor.u32 v36, v6;
	v39 =	vand.u32 $0xFFFFFC00, v20  }
0x38: {  	[tilespmem:s22+$0x20] =	vst v4;
	v4 =	vadd.s32 v39, v2  }
0x39: {  	v38 =	vand.u32 $0x7F, v7;
	v5 =	vld.idx.msk [tilespmem:v5+s10+$0x0], $0xffff;
	v4 =	vor.u32 v1, v4  }
0x3a: {  	v35 =	vand.u32 $0x7F, v14;
	v4 =	vor.u32 v38, v4  }
0x3b: {  	v27 =	vand.u32 $0x7F, v15;
	v7 =	vshll.u32 v14, $0x3;
	[tilespmem:s23+$0x20] =	vst v19;
	v19 =	vadd.s32 v39, v3  }
0x3c: {  	v23 =	vand.u32 $0x7F, v17;
	v40 =	vand.u32 $0xFFFFFC00, v7;
	v6 =	vld.idx.msk [tilespmem:v6+s10+$0x0], $0xffff;
	v7 =	vor.u32 v0, v19  }
0x3d: {  	v17 =	vshll.u32 v17, $0x3;
	v14 =	vshll.u32 v15, $0x3;
	v7 =	vor.u32 v38, v7  }
0x3e: {  	s3 =	simm.s32 $0x2;
	v31 =	vand.u32 $0xFFFFFC00, v14;
	v14 =	vshll.u32 v16, $0x3;
	[tilespmem:s22+$0x30] =	vst v5;
	v5 =	vadd.s32 v40, v2  }
0x3f: {  	s25 =	simm.s32 $0x3;
	v15 =	vmov s3;
	v24 =	vand.u32 $0xFFFFFC00, v14;
	v14 =	vld.idx.msk [tilespmem:v4+s10+$0x0], $0xffff;
	v4 =	vor.u32 v1, v5  }
0x40: {  	v20 =	vand.u32 $0x7F, v16;
	v16 =	vor.u32 v35, v4;
	v4 =	vmov s25  }
0x41: {  	v19 =	vshll.u32 v15, $0x7;
	v5 =	vadd.s32 v40, v3;
	[tilespmem:s23+$0x30] =	vst v6;
	v6 =	vshll.u32 v4, $0xA  }
0x42: {  	v21 =	vld.idx.msk [tilespmem:v7+s10+$0x0], $0xffff;
	v7 =	vor.u32 v0, v5;
	v4 =	vshll.u32 v4, $0x7;
	v5 =	vand.u32 $0xE000, v6  }
0x43: {  	v22 =	vor.u32 v35, v7;
	v4 =	vand.u32 $0x380, v4;
	v6 =	vadd.s32 v26, v5  }
0x44: {  	v7 =	vshll.u32 v15, $0xA;
	[tilespmem:s22+$0x40] =	vst v14;
	v6 =	vor.u32 v4, v6;
	v14 =	vadd.s32 v31, v2  }
0x45: {  	v7 =	vand.u32 $0xE000, v7;
	v15 =	vld.idx.msk [tilespmem:v16+s10+$0x0], $0xffff;
	v16 =	vor.u32 v28, v6;
	v14 =	vor.u32 v1, v14  }
0x46: {  	v6 =	vand.u32 $0x300, v19;
	v19 =	vadd.s32 v26, v7;
	v14 =	vor.u32 v27, v14  }
0x47: {  	v29 =	vand.u32 $0xFFFFFC00, v17;
	v25 =	vadd.s32 v31, v3;
	[tilespmem:s23+$0x40] =	vst v21;
	v19 =	vor.u32 v6, v19  }
0x48: {  	v45 =	vadd.s32 v29, v3;
	v21 =	vld.idx.msk [tilespmem:v22+s10+$0x0], $0xffff;
	v22 =	vor.u32 v28, v19;
	v19 =	vor.u32 v0, v25  }
0x49: {  	v45 =	vor.u32 v0, v45;
	v25 =	vadd.s32 v32, v5;
	v17 =	vor.u32 v27, v19  }
0x4a: {  	v19 =	vand.u32 $0x7F, v18;
	v18 =	vshll.u32 v18, $0x3;
	v41 =	vld.idx.msk [tilespmem:v16+s10+$0x0], $0xffff;
	[tilespmem:s22+$0x50] =	vst v15;
	v16 =	vadd.s32 v24, v2  }
0x4b: {  	v15 =	vor.u32 v4, v25;
	v25 =	vand.u32 $0xFFFFFC00, v18;
	v42 =	vld.idx.msk [tilespmem:v14+s10+$0x0], $0xffff;
	v14 =	vor.u32 v1, v16  }
0x4c: {  	s26 =	simm.s32 $0x200;
	v15 =	vor.u32 v30, v15;
	v18 =	vor.u32 v20, v14;
	v14 =	vadd.s32 v32, v7  }
0x4d: {  	s28 =	simm.s32 $0x180;
	s25 =	sand.u32 $0x3800, s26;
	v16 =	vand.u32 $0x7F, v13;
	v43 =	vld.idx.msk [tilespmem:v22+s10+$0x0], $0xffff;
	[tilespmem:s23+$0x50] =	vst v21;
	v21 =	vadd.s32 v24, v3;
	v14 =	vor.u32 v6, v14  }
0x4e: {  	s31 =	sand.u32 $0x380, s28;
	s30 =	sor.u32 $0x10400, s25;
	v13 =	vshll.u32 v13, $0x3;
	v17 =	vld.idx.msk [tilespmem:v17+s10+$0x0], $0xffff;
	v44 =	vor.u32 v30, v14;
	v14 =	vor.u32 v0, v21  }
0x4f: {  	s29 =	simm.s32 $0x100;
	s24 =	sor.u32 s31, s30;
	v22 =	vand.u32 $0xFFFFFC00, v13;
	v13 =	vadd.s32 v33, v5;
	v48 =	vor.u32 v20, v14  }
0x50: {  	s29 =	sand.u32 $0x300, s29;
	v45 =	vor.u32 v23, v45;
	v13 =	vor.u32 v4, v13;
	v21 =	vadd.s32 v29, v2;
	[tilespmem:s24+$0x0] =	vst v41  }
0x51: {  	s25 =	sor.u32 s29, s30;
	v49 =	vor.u32 v34, v13;
	v14 =	vand.u32 $0x7F, v12;
	v12 =	vshll.u32 v12, $0x3;
	v15 =	vld.idx.msk [tilespmem:v15+s10+$0x0], $0xffff;
	[tilespmem:s22+$0x60] =	vst v42  }
0x52: {  	v13 =	vor.u32 v1, v21;
	v21 =	vand.u32 $0xFFFFFC00, v12;
	v12 =	vadd.s32 v33, v7;
	v18 =	vld.idx.msk [tilespmem:v18+s10+$0x0], $0xffff;
	[tilespmem:s25+$0x0] =	vst v43  }
0x53: {  	v50 =	vor.u32 v23, v13;
	v12 =	vor.u32 v6, v12;
	[tilespmem:s23+$0x60] =	vst v17;
	v44 =	vld.idx.msk [tilespmem:v44+s10+$0x0], $0xffff  }
0x54: {  	v55 =	vadd.s32 v39, v5;
	v60 =	vadd.s32 v40, v5;
	v12 =	vor.u32 v34, v12;
	v41 =	vld.idx.msk [tilespmem:v48+s10+$0x0], $0xffff  }
0x55: {  	v51 =	vadd.s32 v37, v7;
	v57 =	vadd.s32 v39, v7;
	v63 =	vadd.s32 v40, v7  }
0x56: {  	v52 =	vadd.s32 v25, v3;
	v56 =	vadd.s32 v22, v2;
	[tilespmem:s24+$0x10] =	vst v15;
	v15 =	vadd.s32 v37, v5  }
0x57: {  	s29 =	simm.s32 $0x4;
	v42 =	vld.idx.msk [tilespmem:v49+s10+$0x0], $0xffff;
	[tilespmem:s22+$0x70] =	vst v18;
	v15 =	vor.u32 v4, v15;
	v18 =	vadd.s32 v25, v2  }
0x58: {  	v58 =	vmov s29;
	v43 =	vld.idx.msk [tilespmem:v50+s10+$0x0], $0xffff;
	v46 =	vor.u32 v36, v15;
	v18 =	vor.u32 v1, v18;
	[tilespmem:s25+$0x10] =	vst v44  }
0x59: {  	v13 =	vand.u32 $0x7F, v11;
	v18 =	vor.u32 v19, v18;
	v47 =	vld.idx.msk [tilespmem:v12+s10+$0x0], $0xffff;
	[tilespmem:s23+$0x70] =	vst v41;
	v12 =	vor.u32 v6, v51  }
0x5a: {  	v11 =	vshll.u32 v11, $0x3;
	v41 =	vor.u32 v0, v52;
	v53 =	vld.idx.msk [tilespmem:v45+s10+$0x0], $0xffff;
	v54 =	vor.u32 v36, v12  }
0x5b: {  	v61 =	vadd.s32 v21, v2;
	v17 =	vand.u32 $0xFFFFFC00, v11;
	v41 =	vor.u32 v19, v41  }
0x5c: {  	v11 =	vand.u32 $0x7F, v9;
	v62 =	vor.u32 v1, v61;
	v48 =	vadd.s32 v22, v3;
	[tilespmem:s24+$0x20] =	vst v42  }
0x5d: {  	v9 =	vshll.u32 v9, $0x3;
	v59 =	vor.u32 v0, v48;
	v42 =	vor.u32 v4, v55;
	v46 =	vld.idx.msk [tilespmem:v46+s10+$0x0], $0xffff;
	[tilespmem:s22+$0x400] =	vst v43  }
0x5e: {  	v15 =	vand.u32 $0xFFFFFC00, v9;
	v42 =	vor.u32 v38, v42;
	v43 =	vor.u32 v1, v56;
	v18 =	vld.idx.msk [tilespmem:v18+s10+$0x0], $0xffff;
	[tilespmem:s25+$0x20] =	vst v47  }
0x5f: {  	v9 =	vand.u32 $0x7F, v8;
	v43 =	vor.u32 v16, v43;
	v47 =	vor.u32 v6, v57;
	v45 =	vld.idx.msk [tilespmem:v54+s10+$0x0], $0xffff;
	[tilespmem:s23+$0x400] =	vst v53  }
0x60: {  	v8 =	vshll.u32 v8, $0x3;
	v50 =	vshll.u32 v58, $0x7;
	v52 =	vor.u32 v38, v47;
	v49 =	vld.idx.msk [tilespmem:v41+s10+$0x0], $0xffff  }
0x61: {  	v44 =	vadd.s32 v15, v3;
	v12 =	vand.u32 $0xFFFFFC00, v8;
	v53 =	vor.u32 v16, v59  }
0x62: {  	v8 =	vand.u32 $0x7F, v10;
	v10 =	vshll.u32 v10, $0x3;
	v55 =	vor.u32 v6, v63;
	[tilespmem:s24+$0x30] =	vst v46  }
0x63: {  	v10 =	vand.u32 $0xFFFFFC00, v10;
	v56 =	vadd.s32 v21, v3;
	[tilespmem:s22+$0x410] =	vst v18;
	v47 =	vld.idx.msk [tilespmem:v42+s10+$0x0], $0xffff;
	v42 =	vor.u32 v4, v60  }
0x64: {  	s29 =	simm.s32 $0x5;
	v54 =	vshll.u32 v58, $0xA;
	v41 =	vadd.s32 v12, v3;
	v48 =	vld.idx.msk [tilespmem:v43+s10+$0x0], $0xffff;
	v51 =	vor.u32 v35, v42;
	[tilespmem:s25+$0x30] =	vst v45  }
0x65: {  	v18 =	vand.u32 $0x300, v50;
	v43 =	vmov s29;
	v50 =	vld.idx.msk [tilespmem:v52+s10+$0x0], $0xffff;
	[tilespmem:s23+$0x410] =	vst v49;
	v52 =	vor.u32 v14, v62  }
0x66: {  	v46 =	vadd.s32 v31, v7;
	s29 =	simm.s32 $0x6;
	v42 =	vshll.u32 v43, $0xA;
	v49 =	vld.idx.msk [tilespmem:v53+s10+$0x0], $0xffff;
	v53 =	vor.u32 v0, v56  }
.LBB2_3:
0x67: {  	p0 =	slt.u32 s29, $0x3E;
	v45 =	vand.u32 $0xE000, v42;
	v42 =	vshll.u32 v43, $0x7;
	v55 =	vor.u32 v35, v55  }
0x68: {  	v56 =	vadd.s32 v26, v45;
	v43 =	vand.u32 $0x380, v42;
	[tilespmem:s24+$0x40] =	vst v47;
	v47 =	vor.u32 v14, v53  }
0x69: {  	v42 =	vand.u32 $0xE000, v54;
	v54 =	vadd.s32 v31, v5;
	v53 =	vor.u32 v43, v56;
	v51 =	vld.idx.msk [tilespmem:v51+s10+$0x0], $0xffff;
	[tilespmem:s22+$0x420] =	vst v48  }
0x6a: {  	v48 =	vor.u32 v28, v53;
	v53 =	vor.u32 v4, v54;
	v52 =	vld.idx.msk [tilespmem:v52+s10+$0x0], $0xffff;
	v54 =	vadd.s32 v17, v2  }
0x6b: {  	v56 =	vadd.s32 v26, v42;
	[tilespmem:s25+$0x40] =	vst v50;
	v50 =	vor.u32 v27, v53;
	v53 =	vor.u32 v1, v54  }
0x6c: {  	v54 =	vor.u32 v18, v56;
	v55 =	vld.idx.msk [tilespmem:v55+s10+$0x0], $0xffff;
	[tilespmem:s23+$0x420] =	vst v49;
	v49 =	vor.u32 v13, v53  }
0x6d: {  	v46 =	vor.u32 v6, v46;
	v53 =	vor.u32 v28, v54;
	v54 =	vadd.s32 v17, v3;
	v47 =	vld.idx.msk [tilespmem:v47+s10+$0x0], $0xffff  }
0x6e: {  	v46 =	vor.u32 v27, v46;
	v56 =	vadd.s32 v29, v7;
	v54 =	vor.u32 v0, v54  }
0x6f: {  	v57 =	vadd.s32 v32, v45;
	v48 =	vld.idx.msk [tilespmem:v48+s10+$0x0], $0xffff;
	[tilespmem:s24+$0x50] =	vst v51;
	v51 =	vor.u32 v13, v54  }
0x70: {  	v54 =	vor.u32 v43, v57;
	v57 =	vadd.s32 v24, v5;
	v50 =	vld.idx.msk [tilespmem:v50+s10+$0x0], $0xffff;
	[tilespmem:s22+$0x430] =	vst v52  }
0x71: {  	s26 =	sadd.s32 $0x200, s26;
	v52 =	vor.u32 v30, v54;
	v54 =	vor.u32 v4, v57;
	v57 =	vadd.s32 v15, v2;
	v49 =	vld.idx.msk [tilespmem:v49+s10+$0x0], $0xffff  }
0x72: {  	s28 =	sadd.s32 $0x100, s28;
	s30 =	sand.u32 $0x3800, s26;
	v54 =	vor.u32 v20, v54;
	v53 =	vld.idx.msk [tilespmem:v53+s10+$0x0], $0xffff;
	[tilespmem:s25+$0x50] =	vst v55;
	v55 =	vor.u32 v1, v57  }
0x73: {  	s31 =	sadd.s32 $0xFFFFFF80, s28;
	s0 =	sand.u32 $0x380, s28;
	s30 =	sor.u32 $0x10400, s30;
	v57 =	vadd.s32 v32, v42;
	v46 =	vld.idx.msk [tilespmem:v46+s10+$0x0], $0xffff;
	[tilespmem:s23+$0x430] =	vst v47;
	v47 =	vor.u32 v11, v55  }
0x74: {  	v44 =	vor.u32 v0, v44;
	s3 =	sand.u32 $0x300, s31;
	s31 =	sor.u32 s0, s30;
	v55 =	vor.u32 v18, v57;
	v57 =	vadd.s32 v24, v7;
	v51 =	vld.idx.msk [tilespmem:v51+s10+$0x0], $0xffff  }
0x75: {  	v44 =	vor.u32 v11, v44;
	s30 =	sor.u32 s3, s30;
	v55 =	vor.u32 v30, v55;
	[tilespmem:s31+$0x0] =	vst v48;
	v48 =	vor.u32 v6, v57  }
0x76: {  	v57 =	vadd.s32 v33, v45;
	v52 =	vld.idx.msk [tilespmem:v52+s10+$0x0], $0xffff;
	v48 =	vor.u32 v20, v48;
	[tilespmem:s24+$0x60] =	vst v50  }
0x77: {  	v50 =	vor.u32 v43, v57;
	v57 =	vadd.s32 v29, v5;
	v54 =	vld.idx.msk [tilespmem:v54+s10+$0x0], $0xffff;
	[tilespmem:s22+$0x440] =	vst v49  }
0x78: {  	v49 =	vor.u32 v34, v50;
	v50 =	vor.u32 v4, v57;
	v57 =	vadd.s32 v12, v2;
	v47 =	vld.idx.msk [tilespmem:v47+s10+$0x0], $0xffff  }
0x79: {  	v50 =	vor.u32 v23, v50;
	v57 =	vor.u32 v1, v57;
	[tilespmem:s30+$0x0] =	vst v53;
	v53 =	vadd.s32 v33, v42  }
0x7a: {  	v41 =	vor.u32 v0, v41;
	v55 =	vld.idx.msk [tilespmem:v55+s10+$0x0], $0xffff;
	[tilespmem:s25+$0x60] =	vst v46;
	v46 =	vor.u32 v9, v57  }
0x7b: {  	v56 =	vor.u32 v6, v56;
	v53 =	vor.u32 v18, v53;
	v48 =	vld.idx.msk [tilespmem:v48+s10+$0x0], $0xffff;
	[tilespmem:s23+$0x440] =	vst v51  }
0x7c: {  	v41 =	vor.u32 v9, v41;
	v51 =	vor.u32 v34, v53;
	[tilespmem:s31+$0x10] =	vst v52;
	v44 =	vld.idx.msk [tilespmem:v44+s10+$0x0], $0xffff  }
0x7d: {  	v53 =	vor.u32 v23, v56;
	v52 =	vadd.s32 v37, v45;
	v49 =	vld.idx.msk [tilespmem:v49+s10+$0x0], $0xffff;
	[tilespmem:s24+$0x70] =	vst v54  }
0x7e: {  	v52 =	vor.u32 v43, v52;
	v54 =	vadd.s32 v25, v5;
	v50 =	vld.idx.msk [tilespmem:v50+s10+$0x0], $0xffff;
	[tilespmem:s22+$0x450] =	vst v47  }
0x7f: {  	v56 =	vadd.s32 v10, v2;
	v47 =	vor.u32 v36, v52;
	v52 =	vor.u32 v4, v54;
	v46 =	vld.idx.msk [tilespmem:v46+s10+$0x0], $0xffff  }
0x80: {  	v3 =	vadd.s32 v10, v3;
	v1 =	vor.u32 v1, v56;
	v52 =	vor.u32 v19, v52;
	[tilespmem:s30+$0x10] =	vst v55  }
0x81: {  	v2 =	vmov v5;
	v54 =	vadd.s32 v37, v42;
	v51 =	vld.idx.msk [tilespmem:v51+s10+$0x0], $0xffff;
	[tilespmem:s25+$0x70] =	vst v48;
	v48 =	vor.u32 v8, v1  }
0x82: {  	v5 =	vmov v45;
	v55 =	vor.u32 v18, v54;
	v54 =	vadd.s32 v25, v7;
	v53 =	vld.idx.msk [tilespmem:v53+s10+$0x0], $0xffff;
	[tilespmem:s23+$0x450] =	vst v44  }
0x83: {  	v45 =	vor.u32 v6, v54;
	v1 =	vmov v4;
	v44 =	vor.u32 v36, v55;
	[tilespmem:s31+$0x20] =	vst v49;
	v41 =	vld.idx.msk [tilespmem:v41+s10+$0x0], $0xffff  }
0x84: {  	v54 =	vor.u32 v0, v3;
	v4 =	vmov v43;
	v45 =	vor.u32 v19, v45;
	v47 =	vld.idx.msk [tilespmem:v47+s10+$0x0], $0xffff;
	[tilespmem:s24+$0x400] =	vst v50  }
0x85: {  	v43 =	vadd.s32 v39, v5;
	v3 =	vmov v7;
	v50 =	vor.u32 v8, v54;
	v49 =	vld.idx.msk [tilespmem:v52+s10+$0x0], $0xffff;
	[tilespmem:s22+$0x460] =	vst v46  }
0x86: {  	v7 =	vmovc v42;
	v0 =	vmov v6;
	v43 =	vor.u32 v4, v43;
	v46 =	vadd.s32 v22, v2;
	v48 =	vld.idx.msk [tilespmem:v48+s10+$0x0], $0xffff  }
0x87: {  	v6 =	vmov v18;
	v42 =	vor.u32 v38, v43;
	v43 =	vor.u32 v1, v46;
	[tilespmem:s30+$0x20] =	vst v51  }
0x88: {  	v18 =	vadd.s32 v39, v7;
	v43 =	vor.u32 v16, v43;
	v46 =	vld.idx.msk [tilespmem:v44+s10+$0x0], $0xffff;
	[tilespmem:s25+$0x400] =	vst v53  }
0x89: {  	v18 =	vor.u32 v6, v18;
	v51 =	vadd.s32 v22, v3;
	v44 =	vmov s29;
	v45 =	vld.idx.msk [tilespmem:v45+s10+$0x0], $0xffff;
	[tilespmem:s23+$0x460] =	vst v41  }
0x8a: {  	v53 =	vor.u32 v38, v18;
	v18 =	vor.u32 v0, v51;
	v52 =	vshll.u32 v44, $0x7;
	[tilespmem:s31+$0x30] =	vst v47;
	v56 =	vld.idx.msk [tilespmem:v50+s10+$0x0], $0xffff  }
0x8b: {  	v54 =	vshll.u32 v44, $0xA;
	v57 =	vor.u32 v16, v18;
	v41 =	vadd.s32 v12, v3;
	[tilespmem:s24+$0x410] =	vst v49  }
.Ltmp0:
0x8c: {  	v44 =	vadd.s32 v15, v3;
	v18 =	vand.u32 $0x300, v52;
	v47 =	vld.idx.msk [tilespmem:v42+s10+$0x0], $0xffff;
	v42 =	vadd.s32 v40, v5;
	[tilespmem:s22+$0x470] =	vst v48;
	s22 =	smov.u32 s24;
	s24 =	smov.u32 s31;
	(pc) =	sbr.rel @p0 .LBB2_3-.Ltmp0, $4  }
0x8d: {  	v58 =	vadd.s32 v21, v3;
	v42 =	vor.u32 v4, v42;
	v48 =	vld.idx.msk [tilespmem:v43+s10+$0x0], $0xffff;
	v43 =	vadd.s32 v21, v2  }
0x8e: {  	s0 =	sadd.s32 $0x1, s29;
	[tilespmem:s30+$0x30] =	vst v46;
	v46 =	vadd.s32 v31, v7;
	v51 =	vor.u32 v35, v42;
	v42 =	vor.u32 v1, v43  }
0x8f: {  	v49 =	vadd.s32 v40, v7;
	v43 =	vmov s0;
	v50 =	vld.idx.msk [tilespmem:v53+s10+$0x0], $0xffff;
	[tilespmem:s25+$0x410] =	vst v45;
	v52 =	vor.u32 v14, v42  }
0x90: {  	s29 =	sadd.s32 $0x2, s29;
	v55 =	vor.u32 v6, v49;
	v42 =	vshll.u32 v43, $0xA;
	v53 =	vor.u32 v0, v58;
	v49 =	vld.idx.msk [tilespmem:v57+s10+$0x0], $0xffff;
	[tilespmem:s23+$0x470] =	vst v56;
	s23 =	smov.u32 s25;
	s25 =	smov.u32 s30  }
0x91: {  	v42 =	vand.u32 $0xE000, v42;
	v43 =	vshll.u32 v43, $0x7  }
0x92: {  	v45 =	vand.u32 $0xE000, v54;
	v56 =	vadd.s32 v26, v42;
	v43 =	vand.u32 $0x380, v43  }
0x93: {  	v26 =	vadd.s32 v26, v45;
	v63 =	vor.u32 v43, v56  }
0x94: {  	v26 =	vor.u32 v18, v26;
	v54 =	vor.u32 v28, v63  }
0x95: {  	v26 =	vor.u32 v28, v26;
	_ =	sdelay $0x2  }
0x96: {  	v28 =	vadd.s32 v32, v42  }
0x97: {  	v56 =	vadd.s32 v32, v45;
	v28 =	vor.u32 v43, v28;
	v54 =	vld.idx.msk [tilespmem:v54+s10+$0x0], $0xffff  }
0x98: {  	s0 =	sadd.s32 $0x200, s26;
	v32 =	vor.u32 v18, v56;
	v28 =	vor.u32 v30, v28;
	v26 =	vld.idx.msk [tilespmem:v26+s10+$0x0], $0xffff  }
0x99: {  	s3 =	sadd.s32 $0x100, s28;
	s0 =	sand.u32 $0x3800, s0;
	v30 =	vor.u32 v30, v32  }
0x9a: {  	s31 =	sadd.s32 $0xFFFFFF80, s3;
	s3 =	sand.u32 $0x380, s3;
	s0 =	sor.u32 $0x10400, s0  }
0x9b: {  	s26 =	sand.u32 $0x300, s31;
	s28 =	sor.u32 s3, s0  }
0x9c: {  	v57 =	vadd.s32 v33, v42;
	s26 =	sor.u32 s26, s0;
	[tilespmem:s28+$0x0] =	vst v54  }
0x9d: {  	v32 =	vor.u32 v43, v57;
	[tilespmem:s26+$0x0] =	vst v26;
	v26 =	vadd.s32 v33, v45;
	v28 =	vld.idx.msk [tilespmem:v28+s10+$0x0], $0xffff  }
0x9e: {  	v32 =	vor.u32 v34, v32;
	v30 =	vld.idx.msk [tilespmem:v30+s10+$0x0], $0xffff;
	v26 =	vor.u32 v18, v26  }
0x9f: {  	v26 =	vor.u32 v34, v26;
	_ =	sdelay $0x2  }
0xa0: {  	[tilespmem:s28+$0x10] =	vst v28;
	v28 =	vadd.s32 v37, v42  }
0xa1: {  	[tilespmem:s26+$0x10] =	vst v30;
	v30 =	vadd.s32 v37, v45;
	v32 =	vld.idx.msk [tilespmem:v32+s10+$0x0], $0xffff;
	v28 =	vor.u32 v43, v28  }
0xa2: {  	v26 =	vld.idx.msk [tilespmem:v26+s10+$0x0], $0xffff;
	v30 =	vor.u32 v18, v30;
	v28 =	vor.u32 v36, v28  }
0xa3: {  	v30 =	vor.u32 v36, v30;
	_ =	sdelay $0x2  }
0xa4: {  	v58 =	vadd.s32 v39, v42;
	[tilespmem:s28+$0x20] =	vst v32  }
0xa5: {  	v32 =	vor.u32 v43, v58;
	[tilespmem:s26+$0x20] =	vst v26;
	v26 =	vadd.s32 v39, v45;
	v28 =	vld.idx.msk [tilespmem:v28+s10+$0x0], $0xffff  }
0xa6: {  	v32 =	vor.u32 v38, v32;
	v30 =	vld.idx.msk [tilespmem:v30+s10+$0x0], $0xffff;
	v26 =	vor.u32 v18, v26  }
0xa7: {  	v26 =	vor.u32 v38, v26;
	_ =	sdelay $0x2  }
0xa8: {  	v59 =	vor.u32 v35, v55;
	[tilespmem:s28+$0x30] =	vst v28;
	v28 =	vadd.s32 v40, v42  }
0xa9: {  	[tilespmem:s26+$0x30] =	vst v30;
	v30 =	vadd.s32 v40, v45;
	v32 =	vld.idx.msk [tilespmem:v32+s10+$0x0], $0xffff;
	v28 =	vor.u32 v43, v28  }
0xaa: {  	v26 =	vld.idx.msk [tilespmem:v26+s10+$0x0], $0xffff;
	v30 =	vor.u32 v18, v30;
	v28 =	vor.u32 v35, v28  }
0xab: {  	[tilespmem:s24+$0x40] =	vst v47;
	v60 =	vadd.s32 v31, v5;
	v30 =	vor.u32 v35, v30  }
0xac: {  	v61 =	vor.u32 v14, v53;
	v46 =	vor.u32 v6, v46;
	v55 =	vadd.s32 v15, v2;
	[tilespmem:s22+$0x420] =	vst v48  }
0xad: {  	v62 =	vld.idx.msk [tilespmem:v51+s10+$0x0], $0xffff;
	v47 =	vadd.s32 v31, v42;
	[tilespmem:s25+$0x40] =	vst v50;
	v34 =	vor.u32 v4, v60  }
0xae: {  	v31 =	vadd.s32 v31, v45;
	v33 =	vld.idx.msk [tilespmem:v59+s10+$0x0], $0xffff;
	v34 =	vor.u32 v27, v34;
	[tilespmem:s28+$0x40] =	vst v32  }
0xaf: {  	v38 =	vor.u32 v27, v46;
	v32 =	vor.u32 v43, v47;
	[tilespmem:s26+$0x40] =	vst v26;
	v28 =	vld.idx.msk [tilespmem:v28+s10+$0x0], $0xffff  }
0xb0: {  	v48 =	vadd.s32 v24, v5;
	v31 =	vor.u32 v18, v31;
	v32 =	vor.u32 v27, v32;
	v30 =	vld.idx.msk [tilespmem:v30+s10+$0x0], $0xffff  }
0xb1: {  	v63 =	vld.idx.msk [tilespmem:v52+s10+$0x0], $0xffff;
	[tilespmem:s23+$0x420] =	vst v49;
	v49 =	vadd.s32 v24, v7;
	v27 =	vor.u32 v27, v31  }
0xb2: {  	v52 =	vadd.s32 v29, v5;
	v56 =	vadd.s32 v25, v5;
	v50 =	vor.u32 v6, v49;
	[tilespmem:s24+$0x50] =	vst v62  }
0xb3: {  	[tilespmem:s25+$0x50] =	vst v33;
	v33 =	vor.u32 v20, v50;
	v34 =	vld.idx.msk [tilespmem:v34+s10+$0x0], $0xffff;
	v31 =	vor.u32 v4, v48  }
0xb4: {  	v51 =	vld.idx.msk [tilespmem:v38+s10+$0x0], $0xffff;
	v31 =	vor.u32 v20, v31;
	[tilespmem:s28+$0x50] =	vst v28;
	v28 =	vadd.s32 v24, v42  }
0xb5: {  	[tilespmem:s26+$0x50] =	vst v30;
	v24 =	vadd.s32 v24, v45;
	v32 =	vld.idx.msk [tilespmem:v32+s10+$0x0], $0xffff;
	v28 =	vor.u32 v43, v28  }
0xb6: {  	v53 =	vor.u32 v4, v52;
	v27 =	vld.idx.msk [tilespmem:v27+s10+$0x0], $0xffff;
	v24 =	vor.u32 v18, v24;
	v28 =	vor.u32 v20, v28  }
0xb7: {  	[tilespmem:s22+$0x430] =	vst v63;
	v54 =	vadd.s32 v29, v42;
	v26 =	vadd.s32 v17, v2;
	v20 =	vor.u32 v20, v24  }
0xb8: {  	[tilespmem:s24+$0x60] =	vst v34;
	v34 =	vor.u32 v23, v53;
	v35 =	vld.idx.msk [tilespmem:v61+s10+$0x0], $0xffff;
	v26 =	vor.u32 v1, v26  }
0xb9: {  	[tilespmem:s25+$0x60] =	vst v51;
	v26 =	vor.u32 v13, v26;
	v31 =	vld.idx.msk [tilespmem:v31+s10+$0x0], $0xffff;
	v24 =	vadd.s32 v29, v7  }
0xba: {  	v33 =	vld.idx.msk [tilespmem:v33+s10+$0x0], $0xffff;
	v29 =	vadd.s32 v29, v45;
	v24 =	vor.u32 v6, v24;
	[tilespmem:s28+$0x60] =	vst v32  }
0xbb: {  	v24 =	vor.u32 v23, v24;
	v32 =	vor.u32 v43, v54;
	[tilespmem:s26+$0x60] =	vst v27;
	v28 =	vld.idx.msk [tilespmem:v28+s10+$0x0], $0xffff  }
0xbc: {  	v30 =	vadd.s32 v17, v3;
	v29 =	vor.u32 v18, v29;
	v27 =	vor.u32 v23, v32;
	v20 =	vld.idx.msk [tilespmem:v20+s10+$0x0], $0xffff  }
0xbd: {  	v57 =	vadd.s32 v25, v7;
	[tilespmem:s23+$0x430] =	vst v35;
	v30 =	vor.u32 v0, v30;
	v23 =	vor.u32 v23, v29  }
0xbe: {  	v26 =	vld.idx.msk [tilespmem:v26+s10+$0x0], $0xffff;
	v30 =	vor.u32 v13, v30;
	[tilespmem:s24+$0x70] =	vst v31;
	v31 =	vor.u32 v4, v56  }
0xbf: {  	[tilespmem:s25+$0x70] =	vst v33;
	v34 =	vld.idx.msk [tilespmem:v34+s10+$0x0], $0xffff;
	v31 =	vor.u32 v19, v31;
	v32 =	vor.u32 v6, v57  }
0xc0: {  	v32 =	vor.u32 v19, v32;
	v24 =	vld.idx.msk [tilespmem:v24+s10+$0x0], $0xffff;
	[tilespmem:s28+$0x70] =	vst v28;
	v28 =	vadd.s32 v25, v42  }
0xc1: {  	[tilespmem:s26+$0x70] =	vst v20;
	v20 =	vadd.s32 v25, v45;
	v27 =	vld.idx.msk [tilespmem:v27+s10+$0x0], $0xffff;
	v28 =	vor.u32 v43, v28  }
0xc2: {  	v29 =	vor.u32 v1, v55;
	v23 =	vld.idx.msk [tilespmem:v23+s10+$0x0], $0xffff;
	v20 =	vor.u32 v18, v20;
	v25 =	vor.u32 v19, v28  }
0xc3: {  	v28 =	vor.u32 v11, v29;
	v29 =	vld.idx.msk [tilespmem:v30+s10+$0x0], $0xffff;
	v30 =	vadd.s32 v22, v5;
	v19 =	vor.u32 v19, v20  }
0xc4: {  	v58 =	vadd.s32 v22, v7;
	v3 =	vadd.s32 v10, v3;
	[tilespmem:s24+$0x400] =	vst v34;
	v30 =	vor.u32 v4, v30  }
0xc5: {  	v31 =	vld.idx.msk [tilespmem:v31+s10+$0x0], $0xffff;
	[tilespmem:s25+$0x400] =	vst v24;
	v24 =	vor.u32 v16, v30;
	v30 =	vor.u32 v6, v58  }
0xc6: {  	v32 =	vld.idx.msk [tilespmem:v32+s10+$0x0], $0xffff;
	v30 =	vor.u32 v16, v30;
	[tilespmem:s28+$0x400] =	vst v27;
	v27 =	vadd.s32 v22, v42  }
0xc7: {  	[tilespmem:s26+$0x400] =	vst v23;
	v22 =	vadd.s32 v22, v45;
	v25 =	vld.idx.msk [tilespmem:v25+s10+$0x0], $0xffff;
	v27 =	vor.u32 v43, v27  }
0xc8: {  	[tilespmem:s22+$0x440] =	vst v26;
	v19 =	vld.idx.msk [tilespmem:v19+s10+$0x0], $0xffff;
	v22 =	vor.u32 v18, v22;
	v23 =	vor.u32 v16, v27  }
0xc9: {  	v20 =	vor.u32 v0, v44;
	v26 =	vld.idx.msk [tilespmem:v28+s10+$0x0], $0xffff;
	v28 =	vadd.s32 v21, v7;
	v16 =	vor.u32 v16, v22  }
0xca: {  	[tilespmem:s24+$0x410] =	vst v31;
	v27 =	vadd.s32 v21, v5;
	v22 =	vadd.s32 v12, v2;
	v28 =	vor.u32 v6, v28  }
0xcb: {  	[tilespmem:s25+$0x410] =	vst v32;
	v27 =	vor.u32 v4, v27;
	v24 =	vld.idx.msk [tilespmem:v24+s10+$0x0], $0xffff;
	v28 =	vor.u32 v14, v28  }
0xcc: {  	v27 =	vor.u32 v14, v27;
	v30 =	vld.idx.msk [tilespmem:v30+s10+$0x0], $0xffff;
	[tilespmem:s28+$0x410] =	vst v25;
	v25 =	vadd.s32 v21, v42  }
0xcd: {  	v21 =	vadd.s32 v21, v45;
	[tilespmem:s26+$0x410] =	vst v19;
	v23 =	vld.idx.msk [tilespmem:v23+s10+$0x0], $0xffff;
	v25 =	vor.u32 v43, v25  }
0xce: {  	v19 =	vor.u32 v1, v22;
	v16 =	vld.idx.msk [tilespmem:v16+s10+$0x0], $0xffff;
	v21 =	vor.u32 v18, v21;
	v22 =	vor.u32 v14, v25  }
0xcf: {  	v20 =	vor.u32 v11, v20;
	[tilespmem:s23+$0x440] =	vst v29;
	v29 =	vadd.s32 v17, v5;
	v14 =	vor.u32 v14, v21  }
0xd0: {  	v25 =	vor.u32 v0, v41;
	[tilespmem:s24+$0x420] =	vst v24;
	v21 =	vor.u32 v4, v29;
	v24 =	vadd.s32 v17, v7  }
0xd1: {  	v27 =	vld.idx.msk [tilespmem:v27+s10+$0x0], $0xffff;
	[tilespmem:s25+$0x420] =	vst v30;
	v21 =	vor.u32 v13, v21;
	v24 =	vor.u32 v6, v24  }
0xd2: {  	v28 =	vld.idx.msk [tilespmem:v28+s10+$0x0], $0xffff;
	v24 =	vor.u32 v13, v24;
	[tilespmem:s28+$0x420] =	vst v23;
	v23 =	vadd.s32 v17, v42  }
0xd3: {  	[tilespmem:s26+$0x420] =	vst v16;
	v16 =	vadd.s32 v17, v45;
	v22 =	vld.idx.msk [tilespmem:v22+s10+$0x0], $0xffff;
	v23 =	vor.u32 v43, v23  }
0xd4: {  	v17 =	vor.u32 v9, v19;
	v14 =	vld.idx.msk [tilespmem:v14+s10+$0x0], $0xffff;
	v16 =	vor.u32 v18, v16;
	v19 =	vor.u32 v13, v23  }
0xd5: {  	v20 =	vld.idx.msk [tilespmem:v20+s10+$0x0], $0xffff;
	v23 =	vor.u32 v9, v25;
	v25 =	vadd.s32 v15, v5;
	v13 =	vor.u32 v13, v16  }
0xd6: {  	v2 =	vadd.s32 v10, v2;
	v16 =	vadd.s32 v15, v7;
	[tilespmem:s24+$0x430] =	vst v27;
	v25 =	vor.u32 v4, v25  }
0xd7: {  	v21 =	vld.idx.msk [tilespmem:v21+s10+$0x0], $0xffff;
	[tilespmem:s25+$0x430] =	vst v28;
	v16 =	vor.u32 v6, v16;
	v25 =	vor.u32 v11, v25  }
0xd8: {  	v24 =	vld.idx.msk [tilespmem:v24+s10+$0x0], $0xffff;
	v16 =	vor.u32 v11, v16;
	[tilespmem:s28+$0x430] =	vst v22;
	v22 =	vadd.s32 v15, v42  }
0xd9: {  	v15 =	vadd.s32 v15, v45;
	[tilespmem:s26+$0x430] =	vst v14;
	v19 =	vld.idx.msk [tilespmem:v19+s10+$0x0], $0xffff;
	v22 =	vor.u32 v43, v22  }
0xda: {  	[tilespmem:s22+$0x450] =	vst v26;
	v13 =	vld.idx.msk [tilespmem:v13+s10+$0x0], $0xffff;
	v15 =	vor.u32 v18, v15;
	v14 =	vor.u32 v11, v22  }
0xdb: {  	v1 =	vor.u32 v1, v2;
	v2 =	vadd.s32 v12, v5;
	[tilespmem:s23+$0x450] =	vst v20;
	v11 =	vor.u32 v11, v15  }
0xdc: {  	v1 =	vor.u32 v8, v1;
	v2 =	vor.u32 v4, v2;
	v15 =	vadd.s32 v12, v7;
	[tilespmem:s24+$0x440] =	vst v21  }
0xdd: {  	v2 =	vor.u32 v9, v2;
	v21 =	vld.idx.msk [tilespmem:v25+s10+$0x0], $0xffff;
	v15 =	vor.u32 v6, v15;
	[tilespmem:s25+$0x440] =	vst v24  }
0xde: {  	v16 =	vld.idx.msk [tilespmem:v16+s10+$0x0], $0xffff;
	v15 =	vor.u32 v9, v15;
	[tilespmem:s28+$0x440] =	vst v19;
	v19 =	vadd.s32 v12, v42  }
0xdf: {  	v12 =	vadd.s32 v12, v45;
	[tilespmem:s26+$0x440] =	vst v13;
	v14 =	vld.idx.msk [tilespmem:v14+s10+$0x0], $0xffff;
	v19 =	vor.u32 v43, v19  }
0xe0: {  	v0 =	vor.u32 v0, v3;
	v12 =	vor.u32 v18, v12;
	v11 =	vld.idx.msk [tilespmem:v11+s10+$0x0], $0xffff;
	v13 =	vor.u32 v9, v19  }
0xe1: {  	v3 =	vadd.s32 v10, v5;
	v0 =	vor.u32 v8, v0;
	v17 =	vld.idx.msk [tilespmem:v17+s10+$0x0], $0xffff;
	v5 =	vor.u32 v9, v12  }
0xe2: {  	v3 =	vor.u32 v4, v3;
	v7 =	vadd.s32 v10, v7;
	v19 =	vld.idx.msk [tilespmem:v23+s10+$0x0], $0xffff;
	[tilespmem:s24+$0x450] =	vst v21  }
0xe3: {  	v3 =	vor.u32 v8, v3;
	v4 =	vor.u32 v6, v7;
	v2 =	vld.idx.msk [tilespmem:v2+s10+$0x0], $0xffff;
	[tilespmem:s25+$0x450] =	vst v16  }
0xe4: {  	v7 =	vadd.s32 v10, v42;
	v10 =	vadd.s32 v10, v45;
	v6 =	vld.idx.msk [tilespmem:v15+s10+$0x0], $0xffff;
	[tilespmem:s28+$0x450] =	vst v14  }
0xe5: {  	v4 =	vor.u32 v8, v4;
	v7 =	vor.u32 v43, v7;
	[tilespmem:s26+$0x450] =	vst v11;
	v9 =	vld.idx.msk [tilespmem:v13+s10+$0x0], $0xffff  }
0xe6: {  	[tilespmem:s22+$0x460] =	vst v17;
	v10 =	vor.u32 v18, v10;
	v7 =	vor.u32 v8, v7;
	v5 =	vld.idx.msk [tilespmem:v5+s10+$0x0], $0xffff  }
0xe7: {  	v1 =	vld.idx.msk [tilespmem:v1+s10+$0x0], $0xffff;
	v8 =	vor.u32 v8, v10;
	[tilespmem:s23+$0x460] =	vst v19  }
0xe8: {  	v0 =	vld.idx.msk [tilespmem:v0+s10+$0x0], $0xffff;
	[tilespmem:s24+$0x460] =	vst v2  }
0xe9: {  	v2 =	vld.idx.msk [tilespmem:v3+s10+$0x0], $0xffff;
	[tilespmem:s25+$0x460] =	vst v6  }
0xea: {  	v3 =	vld.idx.msk [tilespmem:v4+s10+$0x0], $0xffff;
	[tilespmem:s28+$0x460] =	vst v9  }
0xeb: {  	[tilespmem:s26+$0x460] =	vst v5;
	v4 =	vld.idx.msk [tilespmem:v7+s10+$0x0], $0xffff  }
0xec: {  	[tilespmem:s22+$0x470] =	vst v1;
	v1 =	vld.idx.msk [tilespmem:v8+s10+$0x0], $0xffff  }
0xed: {  	[tilespmem:s23+$0x470] =	vst v0  }
0xee: {  	[tilespmem:s24+$0x470] =	vst v2  }
0xef: {  	[tilespmem:s25+$0x470] =	vst v3  }
0xf0: {  	p0 =	seq.s32 s21, $0x0;
	s22 =	sshll.u32 s21, $0x11;
	[tilespmem:s28+$0x470] =	vst v4  }
0xf1: {  	s0 =	simm.s32 @!p0 $0x2;
	s23 =	sadd.s32 s22, s6;
	[tilespmem:s26+$0x470] =	vst v1  }
0xf2: {  	[hbm4b:s23+s13] =	stream.strided.scatter [tilespmem:s15], [sflag:$0x2], $0x4000, s14, s13, $0x38;
	[tilespmem:$0x18400] =	vst v63  }
0xf3: {  	_ =	swait.ge @!p0 [sflag:s0], $0x4000  }
0xf4: {  	[sflag:s0] =	ssyncset.done @!p0 $0x0  }
0xf5: {  	[sflag:s0] =	ssyncadd.s32 @!p0 $0xFFFFC000  }
0xf6: {  	v0 =	vld [tilespmem:s20+$0x100];
	_ =	sdelay $0x1  }
0xf7: {  	v4 =	vld [tilespmem:s20+$0x110]  }
0xf8: {  	s24 =	simm.s32 $0x1;
	v5 =	vld [tilespmem:s20+$0x120]  }
0xf9: {  	v1 =	vmov s24;
	v6 =	vld [tilespmem:s20+$0x130]  }
0xfa: {  	v3 =	vshll.u32 v1, $0xA;
	v7 =	vld [tilespmem:s20+$0x140];
	v2 =	vshll.u32 v0, $0x3  }
0xfb: {  	s25 =	simm.s32 $0x0;
	v1 =	vshll.u32 v1, $0x7;
	v14 =	vld [tilespmem:s20+$0x150];
	v26 =	vand.u32 $0xFFFFFC00, v2;
	v2 =	vand.u32 $0xE000, v3  }
0xfc: {  	v1 =	vand.u32 $0x380, v1;
	v15 =	vld [tilespmem:s20+$0x160];
	v3 =	vmov s25;
	v8 =	vadd.s32 v26, v2  }
0xfd: {  	v16 =	vld [tilespmem:s20+$0x170];
	v28 =	vand.u32 $0x7F, v0;
	v0 =	vshll.u32 v3, $0xA;
	v8 =	vor.u32 v1, v8  }
0xfe: {  	v17 =	vld [tilespmem:s20+$0x180];
	v9 =	vshll.u32 v3, $0x7;
	v3 =	vand.u32 $0xE000, v0;
	v8 =	vor.u32 v28, v8  }
0xff: {  	v18 =	vld [tilespmem:s20+$0x190];
	v0 =	vand.u32 $0x300, v9;
	v9 =	vadd.s32 v26, v3  }
0x100: {  	v13 =	vld [tilespmem:s20+$0x1A0];
	v10 =	vshll.u32 v4, $0x3;
	v9 =	vor.u32 v0, v9  }
0x101: {  	v12 =	vld [tilespmem:s20+$0x1B0];
	v32 =	vand.u32 $0xFFFFFC00, v10;
	v10 =	vor.u32 v28, v9  }
0x102: {  	v11 =	vld [tilespmem:s20+$0x1C0];
	v9 =	vadd.s32 v32, v2  }
0x103: {  	v30 =	vand.u32 $0x7F, v4;
	v4 =	vld.idx.msk [tilespmem:v8+s10+$0x0], $0xffff;
	v8 =	vor.u32 v1, v9  }
0x104: {  	v9 =	vld [tilespmem:s20+$0x1D0];
	v19 =	vor.u32 v30, v8  }
0x105: {  	s26 =	simm.s32 $0x80;
	s0 =	sand.u32 $0x3800, s25;
	v20 =	vadd.s32 v32, v3;
	v8 =	vld [tilespmem:s20+$0x1E0]  }
0x106: {  	s3 =	sand.u32 $0x380, s26;
	s0 =	sor.u32 $0x10400, s0;
	v21 =	vshll.u32 v5, $0x3;
	v20 =	vor.u32 v0, v20;
	v22 =	vld.idx.msk [tilespmem:v10+s10+$0x0], $0xffff  }
0x107: {  	v33 =	vand.u32 $0xFFFFFC00, v21;
	v20 =	vor.u32 v30, v20;
	v10 =	vld [tilespmem:s20+$0x1F0];
	s20 =	sor.u32 s3, s0  }
0x108: {  	s29 =	simm.s32 $0x0;
	[tilespmem:s20+$0x4000] =	vst v4;
	v4 =	vadd.s32 v33, v2  }
0x109: {  	v34 =	vand.u32 $0x7F, v5;
	s3 =	sand.u32 $0x300, s29;
	v5 =	vld.idx.msk [tilespmem:v19+s10+$0x0], $0xffff;
	v4 =	vor.u32 v1, v4  }
0x10a: {  	s21 =	sor.u32 s3, s0;
	v4 =	vor.u32 v34, v4  }
0x10b: {  	v19 =	vadd.s32 v33, v3;
	[tilespmem:s21+$0x4000] =	vst v22  }
0x10c: {  	v21 =	vshll.u32 v6, $0x3;
	v19 =	vor.u32 v0, v19;
	v20 =	vld.idx.msk [tilespmem:v20+s10+$0x0], $0xffff  }
0x10d: {  	v37 =	vand.u32 $0xFFFFFC00, v21;
	v19 =	vor.u32 v34, v19  }
0x10e: {  	[tilespmem:s20+$0x4010] =	vst v5;
	v5 =	vadd.s32 v37, v2  }
0x10f: {  	v36 =	vand.u32 $0x7F, v6;
	v4 =	vld.idx.msk [tilespmem:v4+s10+$0x0], $0xffff;
	v5 =	vor.u32 v1, v5  }
0x110: {  	v5 =	vor.u32 v36, v5  }
0x111: {  	v6 =	vadd.s32 v37, v3;
	[tilespmem:s21+$0x4010] =	vst v20  }
0x112: {  	v6 =	vor.u32 v0, v6;
	v20 =	vshll.u32 v7, $0x3;
	v19 =	vld.idx.msk [tilespmem:v19+s10+$0x0], $0xffff  }
0x113: {  	v6 =	vor.u32 v36, v6;
	v39 =	vand.u32 $0xFFFFFC00, v20  }
0x114: {  	[tilespmem:s20+$0x4020] =	vst v4;
	v4 =	vadd.s32 v39, v2  }
0x115: {  	v38 =	vand.u32 $0x7F, v7;
	v5 =	vld.idx.msk [tilespmem:v5+s10+$0x0], $0xffff;
	v4 =	vor.u32 v1, v4  }
0x116: {  	v4 =	vor.u32 v38, v4  }
0x117: {  	v35 =	vand.u32 $0x7F, v14;
	v7 =	vshll.u32 v14, $0x3;
	[tilespmem:s21+$0x4020] =	vst v19;
	v19 =	vadd.s32 v39, v3  }
0x118: {  	v27 =	vand.u32 $0x7F, v15;
	v40 =	vand.u32 $0xFFFFFC00, v7;
	v6 =	vld.idx.msk [tilespmem:v6+s10+$0x0], $0xffff;
	v7 =	vor.u32 v0, v19  }
0x119: {  	v23 =	vand.u32 $0x7F, v17;
	v14 =	vshll.u32 v15, $0x3;
	v7 =	vor.u32 v38, v7  }
0x11a: {  	s30 =	simm.s32 $0x2;
	v31 =	vand.u32 $0xFFFFFC00, v14;
	v14 =	vshll.u32 v16, $0x3;
	[tilespmem:s20+$0x4030] =	vst v5;
	v5 =	vadd.s32 v40, v2  }
0x11b: {  	s31 =	simm.s32 $0x3;
	v15 =	vmov s30;
	v24 =	vand.u32 $0xFFFFFC00, v14;
	v14 =	vld.idx.msk [tilespmem:v4+s10+$0x0], $0xffff;
	v4 =	vor.u32 v1, v5  }
0x11c: {  	v20 =	vand.u32 $0x7F, v16;
	v16 =	vor.u32 v35, v4;
	v4 =	vmov s31  }
0x11d: {  	v19 =	vshll.u32 v15, $0x7;
	v5 =	vadd.s32 v40, v3;
	[tilespmem:s21+$0x4030] =	vst v6;
	v6 =	vshll.u32 v4, $0xA  }
0x11e: {  	v21 =	vld.idx.msk [tilespmem:v7+s10+$0x0], $0xffff;
	v7 =	vor.u32 v0, v5;
	v4 =	vshll.u32 v4, $0x7;
	v5 =	vand.u32 $0xE000, v6  }
0x11f: {  	v22 =	vor.u32 v35, v7;
	v4 =	vand.u32 $0x380, v4;
	v6 =	vadd.s32 v26, v5  }
0x120: {  	v7 =	vshll.u32 v15, $0xA;
	[tilespmem:s20+$0x4040] =	vst v14;
	v6 =	vor.u32 v4, v6;
	v14 =	vadd.s32 v31, v2  }
0x121: {  	v7 =	vand.u32 $0xE000, v7;
	v15 =	vld.idx.msk [tilespmem:v16+s10+$0x0], $0xffff;
	v16 =	vor.u32 v28, v6;
	v14 =	vor.u32 v1, v14  }
0x122: {  	v6 =	vand.u32 $0x300, v19;
	v19 =	vadd.s32 v26, v7;
	v14 =	vor.u32 v27, v14  }
0x123: {  	v17 =	vshll.u32 v17, $0x3;
	v25 =	vadd.s32 v31, v3;
	[tilespmem:s21+$0x4040] =	vst v21;
	v19 =	vor.u32 v6, v19  }
0x124: {  	v29 =	vand.u32 $0xFFFFFC00, v17;
	v21 =	vld.idx.msk [tilespmem:v22+s10+$0x0], $0xffff;
	v22 =	vor.u32 v28, v19;
	v19 =	vor.u32 v0, v25  }
0x125: {  	v50 =	vadd.s32 v29, v3;
	v25 =	vadd.s32 v32, v5;
	v17 =	vor.u32 v27, v19  }
0x126: {  	v19 =	vand.u32 $0x7F, v18;
	v18 =	vshll.u32 v18, $0x3;
	v59 =	vld.idx.msk [tilespmem:v16+s10+$0x0], $0xffff;
	[tilespmem:s20+$0x4050] =	vst v15;
	v16 =	vadd.s32 v24, v2  }
0x127: {  	v15 =	vor.u32 v4, v25;
	v25 =	vand.u32 $0xFFFFFC00, v18;
	v60 =	vld.idx.msk [tilespmem:v14+s10+$0x0], $0xffff;
	v14 =	vor.u32 v1, v16  }
0x128: {  	s25 =	simm.s32 $0x200;
	v15 =	vor.u32 v30, v15;
	v18 =	vor.u32 v20, v14;
	v14 =	vadd.s32 v32, v7  }
0x129: {  	s26 =	simm.s32 $0x180;
	s23 =	sand.u32 $0x3800, s25;
	v16 =	vand.u32 $0x7F, v13;
	v61 =	vld.idx.msk [tilespmem:v22+s10+$0x0], $0xffff;
	[tilespmem:s21+$0x4050] =	vst v21;
	v21 =	vadd.s32 v24, v3;
	v14 =	vor.u32 v6, v14  }
0x12a: {  	s24 =	sand.u32 $0x380, s26;
	s0 =	sor.u32 $0x10400, s23;
	v13 =	vshll.u32 v13, $0x3;
	v17 =	vld.idx.msk [tilespmem:v17+s10+$0x0], $0xffff;
	v62 =	vor.u32 v30, v14;
	v14 =	vor.u32 v0, v21  }
0x12b: {  	s29 =	simm.s32 $0x100;
	s23 =	sor.u32 s24, s0;
	v22 =	vand.u32 $0xFFFFFC00, v13;
	v13 =	vadd.s32 v33, v5;
	v63 =	vor.u32 v20, v14  }
0x12c: {  	v45 =	vor.u32 v0, v50;
	s3 =	sand.u32 $0x300, s29;
	v13 =	vor.u32 v4, v13;
	v21 =	vadd.s32 v29, v2;
	[tilespmem:s23+$0x4000] =	vst v59  }
0x12d: {  	s24 =	sor.u32 s3, s0;
	v48 =	vor.u32 v34, v13;
	v14 =	vand.u32 $0x7F, v12;
	v12 =	vshll.u32 v12, $0x3;
	v15 =	vld.idx.msk [tilespmem:v15+s10+$0x0], $0xffff;
	[tilespmem:s20+$0x4060] =	vst v60  }
0x12e: {  	v13 =	vor.u32 v1, v21;
	v21 =	vand.u32 $0xFFFFFC00, v12;
	v12 =	vadd.s32 v33, v7;
	v18 =	vld.idx.msk [tilespmem:v18+s10+$0x0], $0xffff;
	[tilespmem:s24+$0x4000] =	vst v61  }
0x12f: {  	v49 =	vor.u32 v23, v13;
	v12 =	vor.u32 v6, v12;
	[tilespmem:s21+$0x4060] =	vst v17;
	v44 =	vld.idx.msk [tilespmem:v62+s10+$0x0], $0xffff  }
0x130: {  	v45 =	vor.u32 v23, v45;
	v57 =	vadd.s32 v39, v5;
	v12 =	vor.u32 v34, v12;
	v41 =	vld.idx.msk [tilespmem:v63+s10+$0x0], $0xffff  }
0x131: {  	v52 =	vadd.s32 v37, v7;
	v54 =	vadd.s32 v25, v3;
	v59 =	vadd.s32 v39, v7  }
0x132: {  	v58 =	vadd.s32 v22, v2;
	v47 =	vor.u32 v6, v59;
	[tilespmem:s23+$0x4010] =	vst v15;
	v15 =	vadd.s32 v37, v5  }
0x133: {  	v13 =	vand.u32 $0x7F, v11;
	v42 =	vld.idx.msk [tilespmem:v48+s10+$0x0], $0xffff;
	[tilespmem:s20+$0x4070] =	vst v18;
	v15 =	vor.u32 v4, v15;
	v18 =	vadd.s32 v25, v2  }
0x134: {  	s30 =	simm.s32 $0x4;
	v11 =	vshll.u32 v11, $0x3;
	v43 =	vld.idx.msk [tilespmem:v49+s10+$0x0], $0xffff;
	v51 =	vor.u32 v36, v15;
	v18 =	vor.u32 v1, v18;
	[tilespmem:s24+$0x4010] =	vst v44  }
0x135: {  	v60 =	vmov s30;
	v18 =	vor.u32 v19, v18;
	v53 =	vld.idx.msk [tilespmem:v12+s10+$0x0], $0xffff;
	[tilespmem:s21+$0x4070] =	vst v41;
	v12 =	vor.u32 v6, v52  }
0x136: {  	v59 =	vadd.s32 v40, v5;
	v41 =	vor.u32 v0, v54;
	v55 =	vld.idx.msk [tilespmem:v45+s10+$0x0], $0xffff;
	v56 =	vor.u32 v36, v12  }
0x137: {  	v61 =	vadd.s32 v22, v3;
	v17 =	vand.u32 $0xFFFFFC00, v11;
	v41 =	vor.u32 v19, v41  }
0x138: {  	v11 =	vand.u32 $0x7F, v9;
	v9 =	vshll.u32 v9, $0x3;
	v62 =	vshll.u32 v60, $0x7;
	[tilespmem:s23+$0x4020] =	vst v42  }
0x139: {  	v63 =	vor.u32 v38, v47;
	v15 =	vand.u32 $0xFFFFFC00, v9;
	v42 =	vor.u32 v4, v57;
	v46 =	vld.idx.msk [tilespmem:v51+s10+$0x0], $0xffff;
	[tilespmem:s20+$0x4400] =	vst v43  }
0x13a: {  	v9 =	vand.u32 $0x7F, v8;
	v42 =	vor.u32 v38, v42;
	v43 =	vor.u32 v1, v58;
	v18 =	vld.idx.msk [tilespmem:v18+s10+$0x0], $0xffff;
	[tilespmem:s24+$0x4020] =	vst v53  }
0x13b: {  	v8 =	vshll.u32 v8, $0x3;
	v44 =	vadd.s32 v15, v3;
	v43 =	vor.u32 v16, v43;
	v45 =	vld.idx.msk [tilespmem:v56+s10+$0x0], $0xffff;
	[tilespmem:s21+$0x4400] =	vst v55  }
0x13c: {  	v54 =	vshll.u32 v60, $0xA;
	v60 =	vadd.s32 v21, v3;
	v58 =	vor.u32 v0, v61;
	v49 =	vld.idx.msk [tilespmem:v41+s10+$0x0], $0xffff  }
0x13d: {  	v12 =	vand.u32 $0xFFFFFC00, v8;
	v8 =	vand.u32 $0x7F, v10;
	v53 =	vor.u32 v16, v58  }
0x13e: {  	v10 =	vshll.u32 v10, $0x3;
	v61 =	vadd.s32 v21, v2;
	v41 =	vadd.s32 v12, v3;
	[tilespmem:s23+$0x4030] =	vst v46  }
0x13f: {  	v10 =	vand.u32 $0xFFFFFC00, v10;
	v46 =	vadd.s32 v31, v7;
	[tilespmem:s20+$0x4410] =	vst v18;
	v47 =	vld.idx.msk [tilespmem:v42+s10+$0x0], $0xffff;
	v42 =	vor.u32 v4, v59  }
0x140: {  	s31 =	simm.s32 $0x5;
	v18 =	vand.u32 $0x300, v62;
	v62 =	vor.u32 v1, v61;
	v48 =	vld.idx.msk [tilespmem:v43+s10+$0x0], $0xffff;
	v51 =	vor.u32 v35, v42;
	[tilespmem:s24+$0x4030] =	vst v45  }
0x141: {  	v43 =	vmov s31;
	v52 =	vor.u32 v14, v62;
	v50 =	vld.idx.msk [tilespmem:v63+s10+$0x0], $0xffff;
	v63 =	vadd.s32 v40, v7;
	[tilespmem:s21+$0x4410] =	vst v49  }
0x142: {  	s28 =	simm.s32 $0x6;
	v42 =	vshll.u32 v43, $0xA;
	v55 =	vor.u32 v6, v63;
	v49 =	vld.idx.msk [tilespmem:v53+s10+$0x0], $0xffff;
	v53 =	vor.u32 v0, v60  }
.LBB2_5:
0x143: {  	p0 =	slt.u32 s28, $0x3E;
	v45 =	vand.u32 $0xE000, v42;
	v42 =	vshll.u32 v43, $0x7;
	v55 =	vor.u32 v35, v55  }
0x144: {  	v56 =	vadd.s32 v26, v45;
	v43 =	vand.u32 $0x380, v42;
	[tilespmem:s23+$0x4040] =	vst v47;
	v47 =	vor.u32 v14, v53  }
0x145: {  	v42 =	vand.u32 $0xE000, v54;
	v54 =	vadd.s32 v31, v5;
	v53 =	vor.u32 v43, v56;
	v51 =	vld.idx.msk [tilespmem:v51+s10+$0x0], $0xffff;
	[tilespmem:s20+$0x4420] =	vst v48  }
0x146: {  	v48 =	vor.u32 v28, v53;
	v53 =	vor.u32 v4, v54;
	v52 =	vld.idx.msk [tilespmem:v52+s10+$0x0], $0xffff;
	v54 =	vadd.s32 v17, v2  }
0x147: {  	v56 =	vadd.s32 v26, v42;
	[tilespmem:s24+$0x4040] =	vst v50;
	v50 =	vor.u32 v27, v53;
	v53 =	vor.u32 v1, v54  }
0x148: {  	v54 =	vor.u32 v18, v56;
	v55 =	vld.idx.msk [tilespmem:v55+s10+$0x0], $0xffff;
	[tilespmem:s21+$0x4420] =	vst v49;
	v49 =	vor.u32 v13, v53  }
0x149: {  	v46 =	vor.u32 v6, v46;
	v53 =	vor.u32 v28, v54;
	v54 =	vadd.s32 v17, v3;
	v47 =	vld.idx.msk [tilespmem:v47+s10+$0x0], $0xffff  }
0x14a: {  	v46 =	vor.u32 v27, v46;
	v56 =	vadd.s32 v29, v7;
	v54 =	vor.u32 v0, v54  }
0x14b: {  	v57 =	vadd.s32 v32, v45;
	v48 =	vld.idx.msk [tilespmem:v48+s10+$0x0], $0xffff;
	[tilespmem:s23+$0x4050] =	vst v51;
	v51 =	vor.u32 v13, v54  }
0x14c: {  	v54 =	vor.u32 v43, v57;
	v57 =	vadd.s32 v24, v5;
	v50 =	vld.idx.msk [tilespmem:v50+s10+$0x0], $0xffff;
	[tilespmem:s20+$0x4430] =	vst v52  }
0x14d: {  	s25 =	sadd.s32 $0x200, s25;
	v52 =	vor.u32 v30, v54;
	v54 =	vor.u32 v4, v57;
	v57 =	vadd.s32 v15, v2;
	v49 =	vld.idx.msk [tilespmem:v49+s10+$0x0], $0xffff  }
0x14e: {  	s26 =	sadd.s32 $0x100, s26;
	s0 =	sand.u32 $0x3800, s25;
	v54 =	vor.u32 v20, v54;
	v53 =	vld.idx.msk [tilespmem:v53+s10+$0x0], $0xffff;
	[tilespmem:s24+$0x4050] =	vst v55;
	v55 =	vor.u32 v1, v57  }
0x14f: {  	s3 =	sadd.s32 $0xFFFFFF80, s26;
	s29 =	sand.u32 $0x380, s26;
	s0 =	sor.u32 $0x10400, s0;
	v57 =	vadd.s32 v32, v42;
	v46 =	vld.idx.msk [tilespmem:v46+s10+$0x0], $0xffff;
	[tilespmem:s21+$0x4430] =	vst v47;
	v47 =	vor.u32 v11, v55  }
0x150: {  	v44 =	vor.u32 v0, v44;
	s3 =	sand.u32 $0x300, s3;
	s30 =	sor.u32 s29, s0;
	v55 =	vor.u32 v18, v57;
	v57 =	vadd.s32 v24, v7;
	v51 =	vld.idx.msk [tilespmem:v51+s10+$0x0], $0xffff  }
0x151: {  	v44 =	vor.u32 v11, v44;
	s29 =	sor.u32 s3, s0;
	v55 =	vor.u32 v30, v55;
	[tilespmem:s30+$0x4000] =	vst v48;
	v48 =	vor.u32 v6, v57  }
0x152: {  	v57 =	vadd.s32 v33, v45;
	v52 =	vld.idx.msk [tilespmem:v52+s10+$0x0], $0xffff;
	v48 =	vor.u32 v20, v48;
	[tilespmem:s23+$0x4060] =	vst v50  }
0x153: {  	v50 =	vor.u32 v43, v57;
	v57 =	vadd.s32 v29, v5;
	v54 =	vld.idx.msk [tilespmem:v54+s10+$0x0], $0xffff;
	[tilespmem:s20+$0x4440] =	vst v49  }
0x154: {  	v49 =	vor.u32 v34, v50;
	v50 =	vor.u32 v4, v57;
	v57 =	vadd.s32 v12, v2;
	v47 =	vld.idx.msk [tilespmem:v47+s10+$0x0], $0xffff  }
0x155: {  	v50 =	vor.u32 v23, v50;
	v57 =	vor.u32 v1, v57;
	[tilespmem:s29+$0x4000] =	vst v53;
	v53 =	vadd.s32 v33, v42  }
0x156: {  	v41 =	vor.u32 v0, v41;
	v55 =	vld.idx.msk [tilespmem:v55+s10+$0x0], $0xffff;
	[tilespmem:s24+$0x4060] =	vst v46;
	v46 =	vor.u32 v9, v57  }
0x157: {  	v56 =	vor.u32 v6, v56;
	v53 =	vor.u32 v18, v53;
	v48 =	vld.idx.msk [tilespmem:v48+s10+$0x0], $0xffff;
	[tilespmem:s21+$0x4440] =	vst v51  }
0x158: {  	v41 =	vor.u32 v9, v41;
	v51 =	vor.u32 v34, v53;
	[tilespmem:s30+$0x4010] =	vst v52;
	v44 =	vld.idx.msk [tilespmem:v44+s10+$0x0], $0xffff  }
0x159: {  	v53 =	vor.u32 v23, v56;
	v52 =	vadd.s32 v37, v45;
	v49 =	vld.idx.msk [tilespmem:v49+s10+$0x0], $0xffff;
	[tilespmem:s23+$0x4070] =	vst v54  }
0x15a: {  	v52 =	vor.u32 v43, v52;
	v54 =	vadd.s32 v25, v5;
	v50 =	vld.idx.msk [tilespmem:v50+s10+$0x0], $0xffff;
	[tilespmem:s20+$0x4450] =	vst v47  }
0x15b: {  	v56 =	vadd.s32 v10, v2;
	v47 =	vor.u32 v36, v52;
	v52 =	vor.u32 v4, v54;
	v46 =	vld.idx.msk [tilespmem:v46+s10+$0x0], $0xffff  }
0x15c: {  	v3 =	vadd.s32 v10, v3;
	v1 =	vor.u32 v1, v56;
	v52 =	vor.u32 v19, v52;
	[tilespmem:s29+$0x4010] =	vst v55  }
0x15d: {  	v2 =	vmov v5;
	v54 =	vadd.s32 v37, v42;
	v51 =	vld.idx.msk [tilespmem:v51+s10+$0x0], $0xffff;
	[tilespmem:s24+$0x4070] =	vst v48;
	v48 =	vor.u32 v8, v1  }
0x15e: {  	v5 =	vmov v45;
	v55 =	vor.u32 v18, v54;
	v54 =	vadd.s32 v25, v7;
	v53 =	vld.idx.msk [tilespmem:v53+s10+$0x0], $0xffff;
	[tilespmem:s21+$0x4450] =	vst v44  }
0x15f: {  	v45 =	vor.u32 v6, v54;
	v1 =	vmov v4;
	v44 =	vor.u32 v36, v55;
	[tilespmem:s30+$0x4020] =	vst v49;
	v41 =	vld.idx.msk [tilespmem:v41+s10+$0x0], $0xffff  }
0x160: {  	v54 =	vor.u32 v0, v3;
	v4 =	vmov v43;
	v45 =	vor.u32 v19, v45;
	v47 =	vld.idx.msk [tilespmem:v47+s10+$0x0], $0xffff;
	[tilespmem:s23+$0x4400] =	vst v50  }
0x161: {  	v43 =	vadd.s32 v39, v5;
	v3 =	vmov v7;
	v50 =	vor.u32 v8, v54;
	v49 =	vld.idx.msk [tilespmem:v52+s10+$0x0], $0xffff;
	[tilespmem:s20+$0x4460] =	vst v46  }
0x162: {  	v7 =	vmovc v42;
	v0 =	vmov v6;
	v43 =	vor.u32 v4, v43;
	v46 =	vadd.s32 v22, v2;
	v48 =	vld.idx.msk [tilespmem:v48+s10+$0x0], $0xffff  }
0x163: {  	v6 =	vmov v18;
	v42 =	vor.u32 v38, v43;
	v43 =	vor.u32 v1, v46;
	[tilespmem:s29+$0x4020] =	vst v51  }
0x164: {  	v18 =	vadd.s32 v39, v7;
	v43 =	vor.u32 v16, v43;
	v46 =	vld.idx.msk [tilespmem:v44+s10+$0x0], $0xffff;
	[tilespmem:s24+$0x4400] =	vst v53  }
0x165: {  	v18 =	vor.u32 v6, v18;
	v51 =	vadd.s32 v22, v3;
	v44 =	vmov s28;
	v45 =	vld.idx.msk [tilespmem:v45+s10+$0x0], $0xffff;
	[tilespmem:s21+$0x4460] =	vst v41  }
0x166: {  	v53 =	vor.u32 v38, v18;
	v18 =	vor.u32 v0, v51;
	v52 =	vshll.u32 v44, $0x7;
	[tilespmem:s30+$0x4030] =	vst v47;
	v56 =	vld.idx.msk [tilespmem:v50+s10+$0x0], $0xffff  }
0x167: {  	v54 =	vshll.u32 v44, $0xA;
	v57 =	vor.u32 v16, v18;
	v41 =	vadd.s32 v12, v3;
	[tilespmem:s23+$0x4410] =	vst v49  }
.Ltmp1:
0x168: {  	v44 =	vadd.s32 v15, v3;
	v18 =	vand.u32 $0x300, v52;
	v47 =	vld.idx.msk [tilespmem:v42+s10+$0x0], $0xffff;
	v42 =	vadd.s32 v40, v5;
	[tilespmem:s20+$0x4470] =	vst v48;
	s20 =	smov.u32 s23;
	s23 =	smov.u32 s30;
	(pc) =	sbr.rel @p0 .LBB2_5-.Ltmp1, $4  }
0x169: {  	v58 =	vadd.s32 v21, v3;
	v42 =	vor.u32 v4, v42;
	v48 =	vld.idx.msk [tilespmem:v43+s10+$0x0], $0xffff;
	v43 =	vadd.s32 v21, v2  }
0x16a: {  	s0 =	sadd.s32 $0x1, s28;
	[tilespmem:s29+$0x4030] =	vst v46;
	v46 =	vadd.s32 v31, v7;
	v51 =	vor.u32 v35, v42;
	v42 =	vor.u32 v1, v43  }
0x16b: {  	v49 =	vadd.s32 v40, v7;
	v43 =	vmov s0;
	v50 =	vld.idx.msk [tilespmem:v53+s10+$0x0], $0xffff;
	[tilespmem:s24+$0x4410] =	vst v45;
	v52 =	vor.u32 v14, v42  }
0x16c: {  	s28 =	sadd.s32 $0x2, s28;
	v55 =	vor.u32 v6, v49;
	v42 =	vshll.u32 v43, $0xA;
	v53 =	vor.u32 v0, v58;
	v49 =	vld.idx.msk [tilespmem:v57+s10+$0x0], $0xffff;
	[tilespmem:s21+$0x4470] =	vst v56;
	s21 =	smov.u32 s24;
	s24 =	smov.u32 s29  }
0x16d: {  	v42 =	vand.u32 $0xE000, v42;
	v43 =	vshll.u32 v43, $0x7  }
0x16e: {  	v45 =	vand.u32 $0xE000, v54;
	v56 =	vadd.s32 v26, v42;
	v43 =	vand.u32 $0x380, v43  }
0x16f: {  	v61 =	vadd.s32 v26, v45;
	v60 =	vor.u32 v43, v56  }
0x170: {  	v26 =	vor.u32 v18, v61;
	v54 =	vor.u32 v28, v60  }
0x171: {  	v26 =	vor.u32 v28, v26;
	_ =	sdelay $0x2  }
0x172: {  	v62 =	vadd.s32 v32, v42  }
0x173: {  	v63 =	vadd.s32 v32, v45;
	v28 =	vor.u32 v43, v62;
	v54 =	vld.idx.msk [tilespmem:v54+s10+$0x0], $0xffff  }
0x174: {  	s0 =	sadd.s32 $0x200, s25;
	v32 =	vor.u32 v18, v63;
	v28 =	vor.u32 v30, v28;
	v26 =	vld.idx.msk [tilespmem:v26+s10+$0x0], $0xffff  }
0x175: {  	s3 =	sadd.s32 $0x100, s26;
	s0 =	sand.u32 $0x3800, s0;
	v56 =	vor.u32 v30, v32  }
0x176: {  	s28 =	sadd.s32 $0xFFFFFF80, s3;
	s3 =	sand.u32 $0x380, s3;
	s0 =	sor.u32 $0x10400, s0  }
0x177: {  	s29 =	sand.u32 $0x300, s28;
	s30 =	sor.u32 s3, s0  }
0x178: {  	v57 =	vadd.s32 v33, v42;
	s26 =	sor.u32 s29, s0;
	[tilespmem:s30+$0x4000] =	vst v54  }
0x179: {  	v58 =	vadd.s32 v33, v45;
	v32 =	vor.u32 v43, v57;
	[tilespmem:s26+$0x4000] =	vst v26;
	v28 =	vld.idx.msk [tilespmem:v28+s10+$0x0], $0xffff  }
0x17a: {  	v32 =	vor.u32 v34, v32;
	v26 =	vor.u32 v18, v58;
	v30 =	vld.idx.msk [tilespmem:v56+s10+$0x0], $0xffff  }
0x17b: {  	v26 =	vor.u32 v34, v26;
	_ =	sdelay $0x2  }
0x17c: {  	v59 =	vadd.s32 v37, v42;
	[tilespmem:s30+$0x4010] =	vst v28  }
0x17d: {  	v60 =	vadd.s32 v37, v45;
	v28 =	vor.u32 v43, v59;
	[tilespmem:s26+$0x4010] =	vst v30;
	v32 =	vld.idx.msk [tilespmem:v32+s10+$0x0], $0xffff  }
0x17e: {  	v30 =	vor.u32 v18, v60;
	v28 =	vor.u32 v36, v28;
	v26 =	vld.idx.msk [tilespmem:v26+s10+$0x0], $0xffff  }
0x17f: {  	v30 =	vor.u32 v36, v30;
	_ =	sdelay $0x2  }
0x180: {  	v61 =	vadd.s32 v39, v42;
	[tilespmem:s30+$0x4020] =	vst v32  }
0x181: {  	v62 =	vadd.s32 v39, v45;
	v32 =	vor.u32 v43, v61;
	[tilespmem:s26+$0x4020] =	vst v26;
	v28 =	vld.idx.msk [tilespmem:v28+s10+$0x0], $0xffff  }
0x182: {  	v26 =	vor.u32 v18, v62;
	v32 =	vor.u32 v38, v32;
	v30 =	vld.idx.msk [tilespmem:v30+s10+$0x0], $0xffff  }
0x183: {  	v26 =	vor.u32 v38, v26;
	_ =	sdelay $0x2  }
0x184: {  	v63 =	vor.u32 v35, v55;
	v38 =	vadd.s32 v40, v42;
	[tilespmem:s30+$0x4030] =	vst v28  }
0x185: {  	v39 =	vadd.s32 v40, v45;
	v28 =	vor.u32 v43, v38;
	[tilespmem:s26+$0x4030] =	vst v30;
	v32 =	vld.idx.msk [tilespmem:v32+s10+$0x0], $0xffff  }
0x186: {  	[tilespmem:s23+$0x4040] =	vst v47;
	v30 =	vor.u32 v18, v39;
	v28 =	vor.u32 v35, v28;
	v26 =	vld.idx.msk [tilespmem:v26+s10+$0x0], $0xffff  }
0x187: {  	v47 =	vor.u32 v14, v53;
	v51 =	vld.idx.msk [tilespmem:v51+s10+$0x0], $0xffff;
	[tilespmem:s20+$0x4420] =	vst v48;
	v30 =	vor.u32 v35, v30  }
0x188: {  	v48 =	vadd.s32 v29, v7;
	v53 =	vld.idx.msk [tilespmem:v52+s10+$0x0], $0xffff;
	[tilespmem:s24+$0x4040] =	vst v50;
	v40 =	vadd.s32 v31, v5  }
0x189: {  	v55 =	vadd.s32 v31, v42;
	v57 =	vadd.s32 v17, v2;
	v33 =	vld.idx.msk [tilespmem:v63+s10+$0x0], $0xffff;
	v34 =	vor.u32 v4, v40  }
0x18a: {  	v54 =	vor.u32 v6, v46;
	v56 =	vadd.s32 v31, v45;
	v34 =	vor.u32 v27, v34;
	[tilespmem:s30+$0x4040] =	vst v32  }
0x18b: {  	v38 =	vor.u32 v27, v54;
	v32 =	vor.u32 v43, v55;
	[tilespmem:s26+$0x4040] =	vst v26;
	v28 =	vld.idx.msk [tilespmem:v28+s10+$0x0], $0xffff  }
0x18c: {  	[tilespmem:s21+$0x4420] =	vst v49;
	v31 =	vor.u32 v18, v56;
	v32 =	vor.u32 v27, v32;
	v30 =	vld.idx.msk [tilespmem:v30+s10+$0x0], $0xffff  }
0x18d: {  	v50 =	vadd.s32 v29, v42;
	[tilespmem:s23+$0x4050] =	vst v51;
	v58 =	vadd.s32 v24, v5;
	v59 =	vor.u32 v27, v31  }
0x18e: {  	v51 =	vadd.s32 v29, v45;
	[tilespmem:s20+$0x4430] =	vst v53;
	v60 =	vor.u32 v4, v58;
	v61 =	vadd.s32 v24, v7  }
0x18f: {  	[tilespmem:s24+$0x4050] =	vst v33;
	v62 =	vor.u32 v6, v61;
	v31 =	vor.u32 v20, v60;
	v34 =	vld.idx.msk [tilespmem:v34+s10+$0x0], $0xffff  }
0x190: {  	v33 =	vor.u32 v20, v62;
	v63 =	vld.idx.msk [tilespmem:v38+s10+$0x0], $0xffff;
	v38 =	vadd.s32 v24, v42;
	[tilespmem:s30+$0x4050] =	vst v28  }
0x191: {  	v39 =	vadd.s32 v24, v45;
	v28 =	vor.u32 v43, v38;
	[tilespmem:s26+$0x4050] =	vst v30;
	v32 =	vld.idx.msk [tilespmem:v32+s10+$0x0], $0xffff  }
0x192: {  	v53 =	vadd.s32 v15, v2;
	v24 =	vor.u32 v18, v39;
	v28 =	vor.u32 v20, v28;
	v27 =	vld.idx.msk [tilespmem:v59+s10+$0x0], $0xffff  }
0x193: {  	v46 =	vadd.s32 v29, v5;
	v29 =	vor.u32 v18, v51;
	v35 =	vld.idx.msk [tilespmem:v47+s10+$0x0], $0xffff;
	v47 =	vor.u32 v20, v24  }
0x194: {  	v51 =	vadd.s32 v12, v2;
	v49 =	vor.u32 v4, v46;
	v46 =	vadd.s32 v22, v42;
	[tilespmem:s23+$0x4060] =	vst v34  }
0x195: {  	v58 =	vadd.s32 v25, v7;
	v36 =	vadd.s32 v22, v5;
	v31 =	vld.idx.msk [tilespmem:v31+s10+$0x0], $0xffff;
	[tilespmem:s24+$0x4060] =	vst v63  }
0x196: {  	v24 =	vor.u32 v6, v48;
	v34 =	vor.u32 v23, v49;
	v33 =	vld.idx.msk [tilespmem:v33+s10+$0x0], $0xffff;
	[tilespmem:s30+$0x4060] =	vst v32  }
0x197: {  	v24 =	vor.u32 v23, v24;
	v32 =	vor.u32 v43, v50;
	[tilespmem:s26+$0x4060] =	vst v27;
	v28 =	vld.idx.msk [tilespmem:v28+s10+$0x0], $0xffff  }
0x198: {  	v40 =	vadd.s32 v17, v3;
	v60 =	vadd.s32 v25, v45;
	v52 =	vor.u32 v23, v32;
	v20 =	vld.idx.msk [tilespmem:v47+s10+$0x0], $0xffff  }
0x199: {  	v54 =	vadd.s32 v25, v5;
	v26 =	vor.u32 v1, v57;
	v55 =	vor.u32 v23, v29  }
0x19a: {  	v57 =	vor.u32 v4, v54;
	v26 =	vor.u32 v13, v26;
	v30 =	vor.u32 v0, v40;
	[tilespmem:s23+$0x4070] =	vst v31  }
0x19b: {  	v30 =	vor.u32 v13, v30;
	v31 =	vor.u32 v19, v57;
	v34 =	vld.idx.msk [tilespmem:v34+s10+$0x0], $0xffff;
	[tilespmem:s24+$0x4070] =	vst v33  }
0x19c: {  	v59 =	vadd.s32 v25, v42;
	v24 =	vld.idx.msk [tilespmem:v24+s10+$0x0], $0xffff;
	v32 =	vor.u32 v6, v58;
	[tilespmem:s30+$0x4070] =	vst v28  }
0x19d: {  	v32 =	vor.u32 v19, v32;
	v28 =	vor.u32 v43, v59;
	[tilespmem:s26+$0x4070] =	vst v20;
	v27 =	vld.idx.msk [tilespmem:v52+s10+$0x0], $0xffff  }
0x19e: {  	v56 =	vor.u32 v1, v53;
	v20 =	vor.u32 v18, v60;
	v61 =	vor.u32 v19, v28;
	v23 =	vld.idx.msk [tilespmem:v55+s10+$0x0], $0xffff  }
0x19f: {  	v62 =	vor.u32 v11, v56;
	[tilespmem:s21+$0x4430] =	vst v35;
	v26 =	vld.idx.msk [tilespmem:v26+s10+$0x0], $0xffff;
	v37 =	vor.u32 v19, v20  }
0x1a0: {  	v39 =	vadd.s32 v22, v7;
	v38 =	vor.u32 v0, v44;
	v63 =	vld.idx.msk [tilespmem:v30+s10+$0x0], $0xffff;
	[tilespmem:s23+$0x4400] =	vst v34  }
0x1a1: {  	v44 =	vor.u32 v6, v39;
	v30 =	vor.u32 v4, v36;
	v31 =	vld.idx.msk [tilespmem:v31+s10+$0x0], $0xffff;
	[tilespmem:s24+$0x4400] =	vst v24  }
0x1a2: {  	v40 =	vor.u32 v16, v30;
	v30 =	vor.u32 v16, v44;
	v32 =	vld.idx.msk [tilespmem:v32+s10+$0x0], $0xffff;
	[tilespmem:s30+$0x4400] =	vst v27  }
0x1a3: {  	v47 =	vadd.s32 v22, v45;
	v27 =	vor.u32 v43, v46;
	[tilespmem:s26+$0x4400] =	vst v23;
	v25 =	vld.idx.msk [tilespmem:v61+s10+$0x0], $0xffff  }
0x1a4: {  	v53 =	vadd.s32 v21, v42;
	v22 =	vor.u32 v18, v47;
	v48 =	vor.u32 v16, v27;
	v19 =	vld.idx.msk [tilespmem:v37+s10+$0x0], $0xffff  }
0x1a5: {  	v54 =	vadd.s32 v21, v45;
	v35 =	vadd.s32 v15, v7;
	[tilespmem:s20+$0x4440] =	vst v26;
	v50 =	vor.u32 v16, v22  }
0x1a6: {  	v49 =	vadd.s32 v21, v5;
	v57 =	vor.u32 v0, v41;
	v26 =	vld.idx.msk [tilespmem:v62+s10+$0x0], $0xffff;
	[tilespmem:s23+$0x4410] =	vst v31  }
0x1a7: {  	v52 =	vadd.s32 v21, v7;
	v24 =	vld.idx.msk [tilespmem:v40+s10+$0x0], $0xffff;
	[tilespmem:s24+$0x4410] =	vst v32;
	v27 =	vor.u32 v4, v49  }
0x1a8: {  	v28 =	vor.u32 v6, v52;
	v30 =	vld.idx.msk [tilespmem:v30+s10+$0x0], $0xffff;
	v27 =	vor.u32 v14, v27;
	[tilespmem:s30+$0x4410] =	vst v25  }
0x1a9: {  	v28 =	vor.u32 v14, v28;
	v25 =	vor.u32 v43, v53;
	[tilespmem:s26+$0x4410] =	vst v19;
	v23 =	vld.idx.msk [tilespmem:v48+s10+$0x0], $0xffff  }
0x1aa: {  	v41 =	vadd.s32 v12, v5;
	v21 =	vor.u32 v18, v54;
	v56 =	vor.u32 v14, v25;
	v16 =	vld.idx.msk [tilespmem:v50+s10+$0x0], $0xffff  }
0x1ab: {  	v62 =	vadd.s32 v17, v42;
	v36 =	vadd.s32 v15, v42;
	[tilespmem:s21+$0x4440] =	vst v63;
	v59 =	vor.u32 v14, v21  }
0x1ac: {  	v58 =	vadd.s32 v17, v5;
	v34 =	vadd.s32 v10, v2;
	v63 =	vadd.s32 v17, v45;
	[tilespmem:s23+$0x4420] =	vst v24  }
0x1ad: {  	v60 =	vor.u32 v4, v58;
	v61 =	vadd.s32 v17, v7;
	[tilespmem:s24+$0x4420] =	vst v30;
	v27 =	vld.idx.msk [tilespmem:v27+s10+$0x0], $0xffff  }
0x1ae: {  	v21 =	vor.u32 v13, v60;
	v24 =	vor.u32 v6, v61;
	v28 =	vld.idx.msk [tilespmem:v28+s10+$0x0], $0xffff;
	[tilespmem:s30+$0x4420] =	vst v23  }
0x1af: {  	v24 =	vor.u32 v13, v24;
	v23 =	vor.u32 v43, v62;
	[tilespmem:s26+$0x4420] =	vst v16;
	v22 =	vld.idx.msk [tilespmem:v56+s10+$0x0], $0xffff  }
0x1b0: {  	v2 =	vor.u32 v4, v41;
	v16 =	vor.u32 v18, v63;
	v30 =	vor.u32 v13, v23;
	v14 =	vld.idx.msk [tilespmem:v59+s10+$0x0], $0xffff  }
0x1b1: {  	v2 =	vor.u32 v9, v2;
	v47 =	vadd.s32 v12, v42;
	v33 =	vor.u32 v13, v16  }
0x1b2: {  	v20 =	vor.u32 v11, v38;
	v55 =	vor.u32 v1, v51;
	v32 =	vadd.s32 v15, v5;
	[tilespmem:s23+$0x4430] =	vst v27  }
0x1b3: {  	v37 =	vadd.s32 v15, v45;
	v25 =	vor.u32 v4, v32;
	[tilespmem:s24+$0x4430] =	vst v28;
	v21 =	vld.idx.msk [tilespmem:v21+s10+$0x0], $0xffff  }
0x1b4: {  	v25 =	vor.u32 v11, v25;
	v16 =	vor.u32 v6, v35;
	v24 =	vld.idx.msk [tilespmem:v24+s10+$0x0], $0xffff;
	[tilespmem:s30+$0x4430] =	vst v22  }
0x1b5: {  	v16 =	vor.u32 v11, v16;
	v22 =	vor.u32 v43, v36;
	[tilespmem:s26+$0x4430] =	vst v14;
	v19 =	vld.idx.msk [tilespmem:v30+s10+$0x0], $0xffff  }
0x1b6: {  	v31 =	vor.u32 v9, v57;
	v15 =	vor.u32 v18, v37;
	v39 =	vor.u32 v11, v22;
	v13 =	vld.idx.msk [tilespmem:v33+s10+$0x0], $0xffff  }
0x1b7: {  	[tilespmem:s20+$0x4450] =	vst v26;
	v38 =	vadd.s32 v10, v3;
	v54 =	vadd.s32 v10, v7;
	v44 =	vor.u32 v11, v15  }
0x1b8: {  	v29 =	vor.u32 v9, v55;
	v20 =	vld.idx.msk [tilespmem:v20+s10+$0x0], $0xffff;
	v46 =	vadd.s32 v12, v7;
	[tilespmem:s23+$0x4440] =	vst v21  }
0x1b9: {  	v57 =	vadd.s32 v10, v42;
	v15 =	vor.u32 v6, v46;
	[tilespmem:s24+$0x4440] =	vst v24;
	v21 =	vld.idx.msk [tilespmem:v25+s10+$0x0], $0xffff  }
0x1ba: {  	v40 =	vor.u32 v1, v34;
	v15 =	vor.u32 v9, v15;
	v16 =	vld.idx.msk [tilespmem:v16+s10+$0x0], $0xffff;
	[tilespmem:s30+$0x4440] =	vst v19  }
0x1bb: {  	v48 =	vadd.s32 v12, v45;
	v19 =	vor.u32 v43, v47;
	[tilespmem:s26+$0x4440] =	vst v13;
	v14 =	vld.idx.msk [tilespmem:v39+s10+$0x0], $0xffff  }
0x1bc: {  	v51 =	vor.u32 v0, v38;
	v12 =	vor.u32 v18, v48;
	v49 =	vor.u32 v9, v19;
	v11 =	vld.idx.msk [tilespmem:v44+s10+$0x0], $0xffff  }
0x1bd: {  	v52 =	vadd.s32 v10, v5;
	v17 =	vld.idx.msk [tilespmem:v29+s10+$0x0], $0xffff;
	[tilespmem:s21+$0x4450] =	vst v20;
	v53 =	vor.u32 v9, v12  }
0x1be: {  	v55 =	vor.u32 v6, v54;
	v1 =	vor.u32 v8, v40;
	v50 =	vld.idx.msk [tilespmem:v31+s10+$0x0], $0xffff;
	[tilespmem:s23+$0x4450] =	vst v21  }
0x1bf: {  	v0 =	vor.u32 v8, v51;
	v3 =	vor.u32 v4, v52;
	[tilespmem:s24+$0x4450] =	vst v16;
	v2 =	vld.idx.msk [tilespmem:v2+s10+$0x0], $0xffff  }
0x1c0: {  	v3 =	vor.u32 v8, v3;
	v7 =	vor.u32 v43, v57;
	v56 =	vld.idx.msk [tilespmem:v15+s10+$0x0], $0xffff;
	[tilespmem:s30+$0x4450] =	vst v14  }
0x1c1: {  	v4 =	vor.u32 v8, v55;
	v59 =	vadd.s32 v10, v45;
	[tilespmem:s26+$0x4450] =	vst v11;
	v58 =	vld.idx.msk [tilespmem:v49+s10+$0x0], $0xffff  }
0x1c2: {  	v7 =	vor.u32 v8, v7;
	[tilespmem:s20+$0x4460] =	vst v17;
	v10 =	vor.u32 v18, v59;
	v5 =	vld.idx.msk [tilespmem:v53+s10+$0x0], $0xffff  }
0x1c3: {  	v1 =	vld.idx.msk [tilespmem:v1+s10+$0x0], $0xffff;
	[tilespmem:s21+$0x4460] =	vst v50;
	v60 =	vor.u32 v8, v10  }
0x1c4: {  	v0 =	vld.idx.msk [tilespmem:v0+s10+$0x0], $0xffff;
	[tilespmem:s23+$0x4460] =	vst v2  }
0x1c5: {  	[tilespmem:s24+$0x4460] =	vst v56;
	v2 =	vld.idx.msk [tilespmem:v3+s10+$0x0], $0xffff  }
0x1c6: {  	v61 =	vld.idx.msk [tilespmem:v4+s10+$0x0], $0xffff;
	[tilespmem:s30+$0x4460] =	vst v58  }
0x1c7: {  	[tilespmem:s26+$0x4460] =	vst v5;
	v62 =	vld.idx.msk [tilespmem:v7+s10+$0x0], $0xffff  }
0x1c8: {  	[tilespmem:s20+$0x4470] =	vst v1;
	v63 =	vld.idx.msk [tilespmem:v60+s10+$0x0], $0xffff  }
0x1c9: {  	p0 =	sne.s32 s19, $0xC8;
	[tilespmem:s21+$0x4470] =	vst v0  }
.Ltmp2:
0x1ca: {  	[tilespmem:s23+$0x4470] =	vst v2;
	(pc) =	sbr.rel @p0 .LBB2_2-.Ltmp2, $4  }
0x1cb: {  	[tilespmem:s24+$0x4470] =	vst v61  }
0x1cc: {  	[tilespmem:s30+$0x4470] =	vst v62  }
0x1cd: {  	s31 =	sadd.s32 s22, s8;
	s21 =	smov.u32 s19;
	[tilespmem:s26+$0x4470] =	vst v63  }
0x1ce: {  	[hbm4b:s31+s13] =	stream.strided.scatter [tilespmem:s16], [sflag:$0x2], $0x4000, s14, s13, $0x38;
	[tilespmem:$0x18400] =	vst v63  }
0x1cf: {  	s18 =	sadd.s32 $0x1, s18  }
0x1d0: {  	_ =	swait.ge [sflag:s17], $0x4000;
	p0 =	sne.s32 s18, s9  }
.Ltmp3:
0x1d1: {  	[sflag:s17] =	ssyncset.done $0x0;
	(pc) =	sbr.rel @p0 .LBB2_1-.Ltmp3, $4  }
0x1d2: {  	[sflag:s17] =	ssyncadd.s32 $0xFFFFC000  }
0x1d3: {  	_ =	swait.ge [sflag:s17], $0x4000  }
0x1d4: {  	[sflag:s17] =	ssyncset.done $0x0  }
0x1d5: {  	[sflag:s17] =	ssyncadd.s32 $0xFFFFC000  }
0x1d6: {  	_ =	sfence.sel $0x180000  }
0x1d7: {  	[bflag:$0x0] =	sbarrier.arrive $0xFFFF  }
0x1d8: {  	_ =	strace $0x90000047  }
0x1d9: {  	s0 =	stileid.u32;
	[bflag:$0x2] =	sbarrier.arrive $0xFFFF  }
0x1da: {  	p0 =	sne.s32 s0, $0x0;
	s0 =	rddreg [dreg:$0x3]  }
0x1db: {  	s0 =	sadd.s32 @!p0 $0x100000, s0  }
0x1dc: {  	[sflag:s0] =	ssyncadd.tile.s32 @!p0 $0x1;
	_ =	shalt  }
.Lfunc_end2:
_tile_overlayer_lowered:
.L_overlay_start_2:
0x1dd: {  	(tag) =	ssettag $0x2  }
0x1de: {  	s0 =	rddreg [dreg:$0x0];
	s2 =	stileid.u32  }
0x1df: {  	s1 =	rddreg [dreg:$0x1];
	p0 =	sne.s32 s2, $0x0  }
0x1e0: {  	s3 =	rddreg [dreg:$0x2];
	[bflag:$0x3] =	sbarrier.arrive $0xFFFF;
	s2 =	simm.s32 @!p0 $0x1C03  }
0x1e1: {  	[timem:s3], [sflag:s2] =	dma.local @!p0 [hbm:s0], s1  }
0x1e2: {  	s0 =	simm.s32 @!p0 $0x3  }
0x1e3: {  	_ =	swait.ge @!p0 [sflag:s0], s1  }
0x1e4: {  	s1 =	ssub.s32 @!p0 $0x0, s1;
	[sflag:s0] =	ssyncset.done @!p0 $0x0  }
0x1e5: {  	[sflag:s0] =	ssyncadd.s32 @!p0 s1  }
0x1e6: {  	[bflag:$0x3] =	sbarrier.arrive $0xFFFF  }
0x1e7: {  	_ =	shalt  }

</sc_bundles>
